<compile_context>
chip_gen: v7x
topology: tpu7x:2x2x1
jax: 0.10.2.dev20260603
libtpu: 0.0.44.dev20260713+nightly
codegen_flags: <defaults>
</compile_context>

<pallas_src>
import functools

import jax
import jax.numpy as jnp
from jax import lax
from jax.experimental import pallas as pl
from jax.experimental.pallas import tpu as pltpu
from jax.experimental.pallas import tpu_sc as plsc

N = 10000
D = 128
E = 320000
G = 64

NC = 2
NS = 16
NW = NC * NS
EPW = E // NW
K = 80
NCH = EPW // K
KB = 40
NBUFB = 7
PFD = 5
NCHB = EPW // KB
UNROLLB = NCHB // NBUFB
EPIL = NCHB - UNROLLB * NBUFB

BN = 5000
NG = N // BN


def _sc_mesh():
    return plsc.VectorSubcoreMesh(
        core_axis_name="c", subcore_axis_name="s", num_cores=NC, num_subcores=NS
    )


NBUF = 5
UNROLL = NCH // NBUF


PFDA = 4


def _deg_body(dst_hbm, zd_hbm, out_hbm, *scr):
    didx = scr[0:NBUF]
    isem = scr[NBUF:2 * NBUF]
    ssem = scr[2 * NBUF:3 * NBUF]
    ones_v = scr[3 * NBUF]
    deg_sh = scr[3 * NBUF + 1]
    c = lax.axis_index("c")
    s = lax.axis_index("s")
    for i in range(K // 16):
        ones_v[pl.ds(i * 16, 16)] = jnp.full((16,), 1.0, jnp.float32)

    @pl.when(s == 0)
    def _init():
        pltpu.sync_copy(zd_hbm.at[c], deg_sh)

    plsc.subcore_barrier()
    base = (c * NS + s) * EPW

    def _stage_idx(ch, b):
        pltpu.async_copy(dst_hbm.at[pl.ds(base + ch * K, K)], didx[b], isem[b])

    def _consume(ch, u):
        pltpu.make_async_copy(dst_hbm.at[pl.ds(base, K)], didx[u],
                              isem[u]).wait()
        pltpu.async_copy(ones_v, deg_sh.at[didx[u]], ssem[u], add=True)

    for u in range(PFDA):
        _stage_idx(u, u)

    def body(cc, carry):
        for u in range(NBUF):
            ch = cc * NBUF + u
            _consume(ch, u)
            b2 = (u + PFDA) % NBUF

            @pl.when(ch + PFDA < NCH)
            def _prefetch():
                @pl.when(ch >= NBUF - PFDA)
                def _drain():
                    pltpu.make_async_copy(ones_v, deg_sh.at[didx[b2]],
                                          ssem[b2]).wait()

                _stage_idx(ch + PFDA, b2)

        return carry

    lax.fori_loop(0, UNROLL, body, 0)
    for ch in range(UNROLL * NBUF, NCH):
        _consume(ch, ch % NBUF)
    for u in range(NBUF):
        pltpu.make_async_copy(ones_v, deg_sh.at[didx[u]], ssem[u]).wait()
    plsc.subcore_barrier()

    @pl.when(s == 0)
    def _out():
        pltpu.sync_copy(deg_sh, out_hbm.at[c])


def _deg_counts(dst32, zd):
    kern = functools.partial(
        pl.kernel,
        mesh=_sc_mesh(),
        out_type=jax.ShapeDtypeStruct((NC, N), jnp.float32),
        scratch_types=(
            [pltpu.VMEM((K,), jnp.int32) for _ in range(NBUF)]
            + [pltpu.SemaphoreType.DMA for _ in range(2 * NBUF)]
            + [pltpu.VMEM((K,), jnp.float32),
               pltpu.VMEM_SHARED((N,), jnp.float32)]
        ),
    )(_deg_body)
    return kern(dst32, zd)


def _prep_body(x_ref, w_ref, d0_ref, d1_ref, hp_ref, dis_ref):
    deg = d0_ref[0] + d1_ref[0] + 1.0
    dis_row = lax.rsqrt(jnp.maximum(deg, 1e-12))
    h = jnp.dot(x_ref[...], w_ref[...], preferred_element_type=jnp.float32)
    hp_ref[...] = h * jnp.transpose(dis_row, (1, 0))
    dis_ref[0] = dis_row


def _prep(x, W, d0, d1):
    return pl.pallas_call(
        _prep_body,
        grid=(NG,),
        in_specs=[
            pl.BlockSpec((BN, D), lambda i: (i, 0)),
            pl.BlockSpec((D, D), lambda i: (0, 0)),
            pl.BlockSpec((1, 1, BN), lambda i: (i, 0, 0)),
            pl.BlockSpec((1, 1, BN), lambda i: (i, 0, 0)),
        ],
        out_specs=[
            pl.BlockSpec((BN, D), lambda i: (i, 0)),
            pl.BlockSpec((1, 1, BN), lambda i: (i, 0, 0)),
        ],
        out_shape=[
            jax.ShapeDtypeStruct((N, D), jnp.float32),
            jax.ShapeDtypeStruct((NG, 1, BN), jnp.float32),
        ],
    )(x, W, d0, d1)


NPT = 624
NPT_LAST = N - NPT * (NS - 1)


def _rows_par_copy(s, src_at, dst_at):
    @pl.when(s < NS - 1)
    def _main():
        sl = pl.ds(s * NPT, NPT)
        pltpu.sync_copy(src_at(sl), dst_at(sl))

    @pl.when(s == NS - 1)
    def _last():
        sl = pl.ds(NPT * (NS - 1), NPT_LAST)
        pltpu.sync_copy(src_at(sl), dst_at(sl))


def _edge_body(src_hbm, dst_hbm, hp_hbm, out_hbm, *scr):
    sidx = scr[0]
    didx = scr[1:1 + NBUFB]
    rows = scr[1 + NBUFB:1 + 2 * NBUFB]
    isem = scr[1 + 2 * NBUFB:1 + 3 * NBUFB]
    gsem = scr[1 + 3 * NBUFB:1 + 4 * NBUFB]
    ssem = scr[1 + 4 * NBUFB:1 + 5 * NBUFB]
    acc_sh = scr[1 + 5 * NBUFB]
    c = lax.axis_index("c")
    s = lax.axis_index("s")

    _rows_par_copy(s, lambda sl: hp_hbm.at[sl], lambda sl: acc_sh.at[sl])
    base = (c * NS + s) * EPW
    pltpu.sync_copy(src_hbm.at[pl.ds(base, EPW)], sidx)
    plsc.subcore_barrier()

    def _stage(ch, b):
        pltpu.async_copy(dst_hbm.at[pl.ds(base + ch * KB, KB)], didx[b], isem[b])
        pltpu.async_copy(hp_hbm.at[sidx.at[pl.ds(ch * KB, KB)]], rows[b], gsem[b])

    def _consume(ch, u):
        pltpu.make_async_copy(hp_hbm.at[sidx.at[pl.ds(0, KB)]], rows[u],
                              gsem[u]).wait()
        pltpu.make_async_copy(dst_hbm.at[pl.ds(base, KB)], didx[u],
                              isem[u]).wait()
        pltpu.async_copy(rows[u], acc_sh.at[didx[u]], ssem[u], add=True)

    for u in range(PFD):
        _stage(u, u)

    def body(cc, carry):
        for u in range(NBUFB):
            ch = cc * NBUFB + u
            _consume(ch, u)
            b2 = (u + PFD) % NBUFB

            @pl.when(ch + PFD < NCHB)
            def _prefetch():
                @pl.when(ch >= NBUFB - PFD)
                def _drain():
                    pltpu.make_async_copy(rows[b2], acc_sh.at[didx[b2]],
                                          ssem[b2]).wait()

                _stage(ch + PFD, b2)

        return carry

    lax.fori_loop(0, UNROLLB, body, 0)
    for ch in range(UNROLLB * NBUFB, NCHB):
        _consume(ch, ch % NBUFB)
    for u in range(NBUFB):
        pltpu.make_async_copy(rows[u], acc_sh.at[didx[u]], ssem[u]).wait()
    plsc.subcore_barrier()
    _rows_par_copy(s, lambda sl: acc_sh.at[sl], lambda sl: out_hbm.at[c].at[sl])


def _edge_scatter(src32, dst32, hp):
    kern = functools.partial(
        pl.kernel,
        mesh=_sc_mesh(),
        out_type=jax.ShapeDtypeStruct((NC, N, D), jnp.float32),
        scratch_types=(
            [pltpu.VMEM((EPW,), jnp.int32)]
            + [pltpu.VMEM((KB,), jnp.int32) for _ in range(NBUFB)]
            + [pltpu.VMEM((KB, D), jnp.float32) for _ in range(NBUFB)]
            + [pltpu.SemaphoreType.DMA for _ in range(3 * NBUFB)]
            + [pltpu.VMEM_SHARED((N, D), jnp.float32)]
        ),
    )(_edge_body)
    return kern(src32, dst32, hp)


def _finish_body(a0_ref, a1_ref, hp_ref, dis_ref, b_ref, batch_ref,
                 out_ref, sums, counts):

    i = pl.program_id(0)

    @pl.when(i == 0)
    def _zero():
        sums[...] = jnp.zeros_like(sums)
        counts[...] = jnp.zeros_like(counts)

    acc = a0_ref[0] + a1_ref[0]
    dis_col = jnp.transpose(dis_ref[0], (1, 0))
    rows = (acc - hp_ref[...]) * dis_col + b_ref[...]
    rows = jnp.maximum(rows, 0.0)
    bvec = batch_ref[0]
    gid = lax.broadcasted_iota(jnp.int32, (G, BN), 0)
    m = jnp.where(bvec == gid, 1.0, 0.0)
    sums[...] += jnp.dot(m, rows, preferred_element_type=jnp.float32)
    counts[...] += jnp.sum(m, axis=1, keepdims=True)

    @pl.when(i == NG - 1)
    def _emit():
        out_ref[...] = sums[...] / jnp.maximum(counts[...], 1.0)


def _finish(acc, hp, dis, b2, batch3):
    return pl.pallas_call(
        _finish_body,
        grid=(NG,),
        in_specs=[
            pl.BlockSpec((1, BN, D), lambda i: (0, i, 0)),
            pl.BlockSpec((1, BN, D), lambda i: (1, i, 0)),
            pl.BlockSpec((BN, D), lambda i: (i, 0)),
            pl.BlockSpec((1, 1, BN), lambda i: (i, 0, 0)),
            pl.BlockSpec((1, D), lambda i: (0, 0)),
            pl.BlockSpec((1, 1, BN), lambda i: (i, 0, 0)),
        ],
        out_specs=pl.BlockSpec((G, D), lambda i: (0, 0)),
        out_shape=jax.ShapeDtypeStruct((G, D), jnp.float32),
        scratch_shapes=[
            pltpu.VMEM((G, D), jnp.float32),
            pltpu.VMEM((G, 1), jnp.float32),
        ],
    )(acc, acc, hp, dis, b2, batch3)


def kernel(x, edge_index, batch, W, b):
    dst32 = edge_index[1].astype(jnp.int32)
    src32 = lax.optimization_barrier(edge_index)[0].astype(jnp.int32)
    zd = jnp.zeros((NC, N), jnp.float32)

    dp = _deg_counts(dst32, zd)
    d0 = dp[0].reshape(NG, 1, BN)
    d1 = dp[1].reshape(NG, 1, BN)

    hp, dis = _prep(x, W, d0, d1)

    acc = _edge_scatter(src32, dst32, hp)

    b2 = b.reshape(1, D)
    batch3 = batch.astype(jnp.int32).reshape(NG, 1, BN)
    return _finish(acc, hp, dis, b2, batch3)

# --- scband reference (transcript-rebuilt; emitter-appended) ---
"""Pipeline reference for scband-gcnencoder-51376398795255 (READ-ONLY COPY).

The authoritative reference and input builder live on the scoring server;
editing this copy changes nothing except your own understanding.
"""

import jax, jax.numpy as jnp
import numpy as np

N_NODES = 10000
D_IN = 128
D_OUT = 128
N_EDGES = 320000
NUM_GRAPHS = 64


def setup_inputs(seed: int = 0) -> dict:
    key = jax.random.key(seed)
    k1, k2, k3, k4, k5 = jax.random.split(key, 5)
    x = jax.random.normal(k1, (N_NODES, D_IN), dtype=jnp.float32)
    edge_index = jax.random.randint(k2, (2, N_EDGES), 0, N_NODES, dtype=jnp.int64)
    batch = jnp.sort(jax.random.randint(k3, (N_NODES,), 0, NUM_GRAPHS, dtype=jnp.int64))
    # GCNConv learned parameters (glorot-style init for weight, zeros for bias)
    W = jax.random.normal(k4, (D_IN, D_OUT), dtype=jnp.float32) * (1.0 / np.sqrt(D_IN))
    b = jnp.zeros((D_OUT,), dtype=jnp.float32)
    return {"x": x, "edge_index": edge_index, "batch": batch, "W": W, "b": b}


def reference(x, edge_index, batch, W, b):
    N = x.shape[0]
    # --- GCNConv: add self-loops, symmetric normalization ---
    loop = jnp.arange(N, dtype=edge_index.dtype)
    src = jnp.concatenate([edge_index[0], loop])
    dst = jnp.concatenate([edge_index[1], loop])
    deg = jnp.zeros((N,), dtype=x.dtype).at[dst].add(1.0)
    deg_inv_sqrt = jax.lax.rsqrt(jnp.maximum(deg, 1e-12))
    norm = deg_inv_sqrt[src] * deg_inv_sqrt[dst]
    h = x @ W
    msg = jnp.take(h, src, axis=0) * norm[:, None]
    out = jnp.zeros((N, W.shape[1]), dtype=x.dtype).at[dst].add(msg)
    out = out + b
    # --- ReLU ---
    out = jax.nn.relu(out)
    # --- global_mean_pool over batch assignment ---
    sums = jax.ops.segment_sum(out, batch, num_segments=NUM_GRAPHS)
    counts = jax.ops.segment_sum(jnp.ones((N,), dtype=x.dtype), batch, num_segments=NUM_GRAPHS)
    pooled = sums / jnp.maximum(counts, 1.0)[:, None]
    return pooled

if __name__ == "__main__":
    import jax
    _d = setup_inputs()
    print(jax.jit(kernel)(*tuple(_d.values())))

</pallas_src>

<mosaic_0001>
#map = affine_map<(d0, d1) -> (0)>
#map1 = affine_map<(d0, d1) -> (0, 0)>
module attributes {stable_mosaic.version = 14 : i64} {
  func.func @_deg_body(%arg0: i32, %arg1: i32, %arg2: memref<320000xi32, #tpu.memory_space<hbm>>, %arg3: memref<2x10000xf32, #tpu.memory_space<hbm>>, %arg4: memref<2x10000xf32, #tpu.memory_space<hbm>>, %arg5: memref<80xi32, #tpu.memory_space<vmem>>, %arg6: memref<80xi32, #tpu.memory_space<vmem>>, %arg7: memref<80xi32, #tpu.memory_space<vmem>>, %arg8: memref<80xi32, #tpu.memory_space<vmem>>, %arg9: memref<80xi32, #tpu.memory_space<vmem>>, %arg10: memref<!tpu.dma_semaphore, #tpu.memory_space<semaphore_mem>>, %arg11: memref<!tpu.dma_semaphore, #tpu.memory_space<semaphore_mem>>, %arg12: memref<!tpu.dma_semaphore, #tpu.memory_space<semaphore_mem>>, %arg13: memref<!tpu.dma_semaphore, #tpu.memory_space<semaphore_mem>>, %arg14: memref<!tpu.dma_semaphore, #tpu.memory_space<semaphore_mem>>, %arg15: memref<!tpu.dma_semaphore, #tpu.memory_space<semaphore_mem>>, %arg16: memref<!tpu.dma_semaphore, #tpu.memory_space<semaphore_mem>>, %arg17: memref<!tpu.dma_semaphore, #tpu.memory_space<semaphore_mem>>, %arg18: memref<!tpu.dma_semaphore, #tpu.memory_space<semaphore_mem>>, %arg19: memref<!tpu.dma_semaphore, #tpu.memory_space<semaphore_mem>>, %arg20: memref<80xf32, #tpu.memory_space<vmem>>, %arg21: memref<10000xf32, #tpu.memory_space<vmem_shared>>) attributes {dimension_semantics = [#tpu.dimension_semantics<core_parallel>, #tpu.dimension_semantics<subcore_parallel>], iteration_bounds = array<i64: 2, 16>, scalar_prefetch = 0 : i64, scratch_operands = 17 : i64, tpu.core_type = #tpu.core_type<sc_vector_subcore>, window_params = [{transform_indices = #map}, {transform_indices = #map1}, {transform_indices = #map1}]} {
    %broadcast_in_dim3A = arith.constant 1.000000e+00 : f32
    %broadcast_in_dim3A_0 = vector.broadcast %broadcast_in_dim3A : f32 to vector<16xf32>
    %swap3A = arith.constant 0 : index
    %swap3A_1 = tpu.vector_load %arg20[%swap3A] {strides = array<i32>} : memref<80xf32, #tpu.memory_space<vmem>>, vector<16xf32>,
    %swap3A_2 = vector.shape_cast %swap3A_1 : vector<16xf32> to vector<16xf32>
    %swap3A_3 = vector.shape_cast %broadcast_in_dim3A_0 : vector<16xf32> to vector<16xf32>
    tpu.vector_store %arg20[%swap3A], %swap3A_3 {strides = array<i32>} : memref<80xf32, #tpu.memory_space<vmem>>, vector<16xf32>,
    %broadcast_in_dim3A_4 = arith.constant 1.000000e+00 : f32
    %broadcast_in_dim3A_5 = vector.broadcast %broadcast_in_dim3A_4 : f32 to vector<16xf32>
    %swap3A_6 = arith.constant 16 : index
    %swap3A_7 = tpu.vector_load %arg20[%swap3A_6] {strides = array<i32>} : memref<80xf32, #tpu.memory_space<vmem>>, vector<16xf32>,
    %swap3A_8 = vector.shape_cast %swap3A_7 : vector<16xf32> to vector<16xf32>
    %swap3A_9 = vector.shape_cast %broadcast_in_dim3A_5 : vector<16xf32> to vector<16xf32>
    tpu.vector_store %arg20[%swap3A_6], %swap3A_9 {strides = array<i32>} : memref<80xf32, #tpu.memory_space<vmem>>, vector<16xf32>,
    %broadcast_in_dim3A_10 = arith.constant 1.000000e+00 : f32
    %broadcast_in_dim3A_11 = vector.broadcast %broadcast_in_dim3A_10 : f32 to vector<16xf32>
    %swap3A_12 = arith.constant 32 : index
    %swap3A_13 = tpu.vector_load %arg20[%swap3A_12] {strides = array<i32>} : memref<80xf32, #tpu.memory_space<vmem>>, vector<16xf32>,
    %swap3A_14 = vector.shape_cast %swap3A_13 : vector<16xf32> to vector<16xf32>
    %swap3A_15 = vector.shape_cast %broadcast_in_dim3A_11 : vector<16xf32> to vector<16xf32>
    tpu.vector_store %arg20[%swap3A_12], %swap3A_15 {strides = array<i32>} : memref<80xf32, #tpu.memory_space<vmem>>, vector<16xf32>,
    %broadcast_in_dim3A_16 = arith.constant 1.000000e+00 : f32
    %broadcast_in_dim3A_17 = vector.broadcast %broadcast_in_dim3A_16 : f32 to vector<16xf32>
    %swap3A_18 = arith.constant 48 : index
    %swap3A_19 = tpu.vector_load %arg20[%swap3A_18] {strides = array<i32>} : memref<80xf32, #tpu.memory_space<vmem>>, vector<16xf32>,
    %swap3A_20 = vector.shape_cast %swap3A_19 : vector<16xf32> to vector<16xf32>
    %swap3A_21 = vector.shape_cast %broadcast_in_dim3A_17 : vector<16xf32> to vector<16xf32>
    tpu.vector_store %arg20[%swap3A_18], %swap3A_21 {strides = array<i32>} : memref<80xf32, #tpu.memory_space<vmem>>, vector<16xf32>,
    %broadcast_in_dim3A_22 = arith.constant 1.000000e+00 : f32
    %broadcast_in_dim3A_23 = vector.broadcast %broadcast_in_dim3A_22 : f32 to vector<16xf32>
    %swap3A_24 = arith.constant 64 : index
    %swap3A_25 = tpu.vector_load %arg20[%swap3A_24] {strides = array<i32>} : memref<80xf32, #tpu.memory_space<vmem>>, vector<16xf32>,
    %swap3A_26 = vector.shape_cast %swap3A_25 : vector<16xf32> to vector<16xf32>
    %swap3A_27 = vector.shape_cast %broadcast_in_dim3A_23 : vector<16xf32> to vector<16xf32>
    tpu.vector_store %arg20[%swap3A_24], %swap3A_27 {strides = array<i32>} : memref<80xf32, #tpu.memory_space<vmem>>, vector<16xf32>,
    %eq3A = arith.constant 0 : i32
    %eq3A_28 = arith.cmpi eq, %arg1, %eq3A : i32
    %convert_element_type3A = arith.extui %eq3A_28 : i1 to i32
    %cond3A = arith.constant 0 : i32
    %cond3A_29 = arith.cmpi ne, %convert_element_type3A, %cond3A : i32
    scf.if %cond3A_29 {
      "tpu.region"() ({
        %run_scoped3A = tpu.sem_alloc : memref<!tpu.dma_semaphore, #tpu.memory_space<semaphore_mem>>
        %dma_start3A_68 = arith.constant 0 : i32
        %dma_start3A_69 = tpu.memref_slice %arg3[%arg0, %dma_start3A_68] : memref<2x10000xf32, #tpu.memory_space<hbm>> -> memref<1x10000xf32, #tpu.memory_space<hbm>>
        %dma_start3A_70 = tpu.memref_squeeze %dma_start3A_69 : memref<1x10000xf32, #tpu.memory_space<hbm>> -> memref<10000xf32, #tpu.memory_space<hbm>>
        tpu.enqueue_dma source(%dma_start3A_70 : memref<10000xf32, #tpu.memory_space<hbm>>) target(%arg21 : memref<10000xf32, #tpu.memory_space<vmem_shared>>) target_semaphore(%run_scoped3A : memref<!tpu.dma_semaphore, #tpu.memory_space<semaphore_mem>>)
        %dma_wait3A_71 = arith.constant 0 : i32
        %dma_wait3A_72 = tpu.memref_slice %arg3[%arg0, %dma_wait3A_71] : memref<2x10000xf32, #tpu.memory_space<hbm>> -> memref<1x10000xf32, #tpu.memory_space<hbm>>
        %dma_wait3A_73 = tpu.memref_squeeze %dma_wait3A_72 : memref<1x10000xf32, #tpu.memory_space<hbm>> -> memref<10000xf32, #tpu.memory_space<hbm>>
        tpu.wait_dma2 semaphore(%run_scoped3A : memref<!tpu.dma_semaphore, #tpu.memory_space<semaphore_mem>>) src(%dma_wait3A_73 : memref<10000xf32, #tpu.memory_space<hbm>>) dst(%arg21 : memref<10000xf32, #tpu.memory_space<vmem_shared>>)
        tpu.yield
      }) : () -> ()
    } else {
    }
    %barrier3A = arith.constant 0 : index
    tpu.barrier barrier_id(%barrier3A)
    %mul3A = arith.constant 16 : i32
    %mul3A_30 = arith.muli %arg0, %mul3A : i32
    %add3A = arith.addi %mul3A_30, %arg1 : i32
    %mul3A_31 = arith.constant 10000 : i32
    %mul3A_32 = arith.muli %add3A, %mul3A_31 : i32
    %add3A_33 = arith.constant 0 : i32
    %add3A_34 = arith.addi %mul3A_32, %add3A_33 : i32
    %dma_start3A = tpu.memref_slice %arg2[%add3A_34] : memref<320000xi32, #tpu.memory_space<hbm>> -> memref<80xi32, #tpu.memory_space<hbm>>
    %dma_start3A_35 = tpu.memref_slice %arg2[%add3A_34] : memref<320000xi32, #tpu.memory_space<hbm>> -> memref<80xi32, #tpu.memory_space<hbm>>
    tpu.enqueue_dma source(%dma_start3A_35 : memref<80xi32, #tpu.memory_space<hbm>>) target(%arg5 : memref<80xi32, #tpu.memory_space<vmem>>) target_semaphore(%arg10 : memref<!tpu.dma_semaphore, #tpu.memory_space<semaphore_mem>>)
    %add3A_36 = arith.constant 80 : i32
    %add3A_37 = arith.addi %mul3A_32, %add3A_36 : i32
    %dma_start3A_38 = tpu.memref_slice %arg2[%add3A_37] : memref<320000xi32, #tpu.memory_space<hbm>> -> memref<80xi32, #tpu.memory_space<hbm>>
    %dma_start3A_39 = tpu.memref_slice %arg2[%add3A_37] : memref<320000xi32, #tpu.memory_space<hbm>> -> memref<80xi32, #tpu.memory_space<hbm>>
    tpu.enqueue_dma source(%dma_start3A_39 : memref<80xi32, #tpu.memory_space<hbm>>) target(%arg6 : memref<80xi32, #tpu.memory_space<vmem>>) target_semaphore(%arg11 : memref<!tpu.dma_semaphore, #tpu.memory_space<semaphore_mem>>)
    %add3A_40 = arith.constant 160 : i32
    %add3A_41 = arith.addi %mul3A_32, %add3A_40 : i32
    %dma_start3A_42 = tpu.memref_slice %arg2[%add3A_41] : memref<320000xi32, #tpu.memory_space<hbm>> -> memref<80xi32, #tpu.memory_space<hbm>>
    %dma_start3A_43 = tpu.memref_slice %arg2[%add3A_41] : memref<320000xi32, #tpu.memory_space<hbm>> -> memref<80xi32, #tpu.memory_space<hbm>>
    tpu.enqueue_dma source(%dma_start3A_43 : memref<80xi32, #tpu.memory_space<hbm>>) target(%arg7 : memref<80xi32, #tpu.memory_space<vmem>>) target_semaphore(%arg12 : memref<!tpu.dma_semaphore, #tpu.memory_space<semaphore_mem>>)
    %add3A_44 = arith.constant 240 : i32
    %add3A_45 = arith.addi %mul3A_32, %add3A_44 : i32
    %dma_start3A_46 = tpu.memref_slice %arg2[%add3A_45] : memref<320000xi32, #tpu.memory_space<hbm>> -> memref<80xi32, #tpu.memory_space<hbm>>
    %dma_start3A_47 = tpu.memref_slice %arg2[%add3A_45] : memref<320000xi32, #tpu.memory_space<hbm>> -> memref<80xi32, #tpu.memory_space<hbm>>
    tpu.enqueue_dma source(%dma_start3A_47 : memref<80xi32, #tpu.memory_space<hbm>>) target(%arg8 : memref<80xi32, #tpu.memory_space<vmem>>) target_semaphore(%arg13 : memref<!tpu.dma_semaphore, #tpu.memory_space<semaphore_mem>>)
    %scan3A = arith.constant 0 : i32
    %scan3A_48 = arith.constant 0 : i32
    %scan3A_49 = arith.constant 25 : i32
    %scan3A_50 = arith.addi %scan3A_48, %scan3A_49 : i32
    %scan3A_51 = arith.constant 1 : i32
    scf.for %scan3A_68 = %scan3A_48 to %scan3A_50 step %scan3A_51  : i32 {
      %mul3A_69 = arith.constant 5 : i32
      %mul3A_70 = arith.muli %scan3A_68, %mul3A_69 : i32
      %add3A_71 = arith.constant 0 : i32
      %add3A_72 = arith.addi %mul3A_70, %add3A_71 : i32
      %dma_wait3A_73 = tpu.memref_slice %arg2[%mul3A_32] : memref<320000xi32, #tpu.memory_space<hbm>> -> memref<80xi32, #tpu.memory_space<hbm>>
      %dma_wait3A_74 = tpu.memref_slice %arg2[%mul3A_32] : memref<320000xi32, #tpu.memory_space<hbm>> -> memref<80xi32, #tpu.memory_space<hbm>>
      tpu.wait_dma2 semaphore(%arg10 : memref<!tpu.dma_semaphore, #tpu.memory_space<semaphore_mem>>) src(%dma_wait3A_74 : memref<80xi32, #tpu.memory_space<hbm>>) dst(%arg5 : memref<80xi32, #tpu.memory_space<vmem>>)
      %dma_start3A_75 = arith.constant 0 : i32
      %dma_start3A_76 = tpu.memref_slice %arg21[%dma_start3A_75] : memref<10000xf32, #tpu.memory_space<vmem_shared>> -> memref<10000xf32, #tpu.memory_space<vmem_shared>>
      tpu.enqueue_indirect_dma source(%arg20 : memref<80xf32, #tpu.memory_space<vmem>>) target(%dma_start3A_76 : memref<10000xf32, #tpu.memory_space<vmem_shared>>) offsets(%arg5 : memref<80xi32, #tpu.memory_space<vmem>>) semaphore(%arg15 : memref<!tpu.dma_semaphore, #tpu.memory_space<semaphore_mem>>) {add = true}
      %add3A_77 = arith.constant 4 : i32
      %add3A_78 = arith.addi %add3A_72, %add3A_77 : i32
      %lt3A = arith.constant 125 : i32
      %lt3A_79 = arith.cmpi slt, %add3A_78, %lt3A : i32
      %convert_element_type3A_80 = arith.extui %lt3A_79 : i1 to i32
      %cond3A_81 = arith.constant 0 : i32
      %cond3A_82 = arith.cmpi ne, %convert_element_type3A_80, %cond3A_81 : i32
      scf.if %cond3A_82 {
        %ge3A = arith.constant 1 : i32
        %ge3A_143 = arith.cmpi sge, %add3A_72, %ge3A : i32
        %convert_element_type3A_144 = arith.extui %ge3A_143 : i1 to i32
        %cond3A_145 = arith.constant 0 : i32
        %cond3A_146 = arith.cmpi ne, %convert_element_type3A_144, %cond3A_145 : i32
        scf.if %cond3A_146 {
          %dma_wait3A_154 = arith.constant 0 : i32
          %dma_wait3A_155 = tpu.memref_slice %arg21[%dma_wait3A_154] : memref<10000xf32, #tpu.memory_space<vmem_shared>> -> memref<10000xf32, #tpu.memory_space<vmem_shared>>
          tpu.wait_indirect_dma semaphore(%arg19 : memref<!tpu.dma_semaphore, #tpu.memory_space<semaphore_mem>>) src(%arg20 : memref<80xf32, #tpu.memory_space<vmem>>) dst(%dma_wait3A_155 : memref<10000xf32, #tpu.memory_space<vmem_shared>>)
        } else {
        }
        %add3A_147 = arith.constant 4 : i32
        %add3A_148 = arith.addi %add3A_72, %add3A_147 : i32
        %mul3A_149 = arith.constant 80 : i32
        %mul3A_150 = arith.muli %add3A_148, %mul3A_149 : i32
        %add3A_151 = arith.addi %mul3A_32, %mul3A_150 : i32
        %dma_start3A_152 = tpu.memref_slice %arg2[%add3A_151] : memref<320000xi32, #tpu.memory_space<hbm>> -> memref<80xi32, #tpu.memory_space<hbm>>
        %dma_start3A_153 = tpu.memref_slice %arg2[%add3A_151] : memref<320000xi32, #tpu.memory_space<hbm>> -> memref<80xi32, #tpu.memory_space<hbm>>
        tpu.enqueue_dma source(%dma_start3A_153 : memref<80xi32, #tpu.memory_space<hbm>>) target(%arg9 : memref<80xi32, #tpu.memory_space<vmem>>) target_semaphore(%arg14 : memref<!tpu.dma_semaphore, #tpu.memory_space<semaphore_mem>>)
      } else {
      }
      %mul3A_83 = arith.constant 5 : i32
      %mul3A_84 = arith.muli %scan3A_68, %mul3A_83 : i32
      %add3A_85 = arith.constant 1 : i32
      %add3A_86 = arith.addi %mul3A_84, %add3A_85 : i32
      %dma_wait3A_87 = tpu.memref_slice %arg2[%mul3A_32] : memref<320000xi32, #tpu.memory_space<hbm>> -> memref<80xi32, #tpu.memory_space<hbm>>
      %dma_wait3A_88 = tpu.memref_slice %arg2[%mul3A_32] : memref<320000xi32, #tpu.memory_space<hbm>> -> memref<80xi32, #tpu.memory_space<hbm>>
      tpu.wait_dma2 semaphore(%arg11 : memref<!tpu.dma_semaphore, #tpu.memory_space<semaphore_mem>>) src(%dma_wait3A_88 : memref<80xi32, #tpu.memory_space<hbm>>) dst(%arg6 : memref<80xi32, #tpu.memory_space<vmem>>)
      %dma_start3A_89 = arith.constant 0 : i32
      %dma_start3A_90 = tpu.memref_slice %arg21[%dma_start3A_89] : memref<10000xf32, #tpu.memory_space<vmem_shared>> -> memref<10000xf32, #tpu.memory_space<vmem_shared>>
      tpu.enqueue_indirect_dma source(%arg20 : memref<80xf32, #tpu.memory_space<vmem>>) target(%dma_start3A_90 : memref<10000xf32, #tpu.memory_space<vmem_shared>>) offsets(%arg6 : memref<80xi32, #tpu.memory_space<vmem>>) semaphore(%arg16 : memref<!tpu.dma_semaphore, #tpu.memory_space<semaphore_mem>>) {add = true}
      %add3A_91 = arith.constant 4 : i32
      %add3A_92 = arith.addi %add3A_86, %add3A_91 : i32
      %lt3A_93 = arith.constant 125 : i32
      %lt3A_94 = arith.cmpi slt, %add3A_92, %lt3A_93 : i32
      %convert_element_type3A_95 = arith.extui %lt3A_94 : i1 to i32
      %cond3A_96 = arith.constant 0 : i32
      %cond3A_97 = arith.cmpi ne, %convert_element_type3A_95, %cond3A_96 : i32
      scf.if %cond3A_97 {
        %ge3A = arith.constant 1 : i32
        %ge3A_143 = arith.cmpi sge, %add3A_86, %ge3A : i32
        %convert_element_type3A_144 = arith.extui %ge3A_143 : i1 to i32
        %cond3A_145 = arith.constant 0 : i32
        %cond3A_146 = arith.cmpi ne, %convert_element_type3A_144, %cond3A_145 : i32
        scf.if %cond3A_146 {
          %dma_wait3A_154 = arith.constant 0 : i32
          %dma_wait3A_155 = tpu.memref_slice %arg21[%dma_wait3A_154] : memref<10000xf32, #tpu.memory_space<vmem_shared>> -> memref<10000xf32, #tpu.memory_space<vmem_shared>>
          tpu.wait_indirect_dma semaphore(%arg15 : memref<!tpu.dma_semaphore, #tpu.memory_space<semaphore_mem>>) src(%arg20 : memref<80xf32, #tpu.memory_space<vmem>>) dst(%dma_wait3A_155 : memref<10000xf32, #tpu.memory_space<vmem_shared>>)
        } else {
        }
        %add3A_147 = arith.constant 4 : i32
        %add3A_148 = arith.addi %add3A_86, %add3A_147 : i32
        %mul3A_149 = arith.constant 80 : i32
        %mul3A_150 = arith.muli %add3A_148, %mul3A_149 : i32
        %add3A_151 = arith.addi %mul3A_32, %mul3A_150 : i32
        %dma_start3A_152 = tpu.memref_slice %arg2[%add3A_151] : memref<320000xi32, #tpu.memory_space<hbm>> -> memref<80xi32, #tpu.memory_space<hbm>>
        %dma_start3A_153 = tpu.memref_slice %arg2[%add3A_151] : memref<320000xi32, #tpu.memory_space<hbm>> -> memref<80xi32, #tpu.memory_space<hbm>>
        tpu.enqueue_dma source(%dma_start3A_153 : memref<80xi32, #tpu.memory_space<hbm>>) target(%arg5 : memref<80xi32, #tpu.memory_space<vmem>>) target_semaphore(%arg10 : memref<!tpu.dma_semaphore, #tpu.memory_space<semaphore_mem>>)
      } else {
      }
      %mul3A_98 = arith.constant 5 : i32
      %mul3A_99 = arith.muli %scan3A_68, %mul3A_98 : i32
      %add3A_100 = arith.constant 2 : i32
      %add3A_101 = arith.addi %mul3A_99, %add3A_100 : i32
      %dma_wait3A_102 = tpu.memref_slice %arg2[%mul3A_32] : memref<320000xi32, #tpu.memory_space<hbm>> -> memref<80xi32, #tpu.memory_space<hbm>>
      %dma_wait3A_103 = tpu.memref_slice %arg2[%mul3A_32] : memref<320000xi32, #tpu.memory_space<hbm>> -> memref<80xi32, #tpu.memory_space<hbm>>
      tpu.wait_dma2 semaphore(%arg12 : memref<!tpu.dma_semaphore, #tpu.memory_space<semaphore_mem>>) src(%dma_wait3A_103 : memref<80xi32, #tpu.memory_space<hbm>>) dst(%arg7 : memref<80xi32, #tpu.memory_space<vmem>>)
      %dma_start3A_104 = arith.constant 0 : i32
      %dma_start3A_105 = tpu.memref_slice %arg21[%dma_start3A_104] : memref<10000xf32, #tpu.memory_space<vmem_shared>> -> memref<10000xf32, #tpu.memory_space<vmem_shared>>
      tpu.enqueue_indirect_dma source(%arg20 : memref<80xf32, #tpu.memory_space<vmem>>) target(%dma_start3A_105 : memref<10000xf32, #tpu.memory_space<vmem_shared>>) offsets(%arg7 : memref<80xi32, #tpu.memory_space<vmem>>) semaphore(%arg17 : memref<!tpu.dma_semaphore, #tpu.memory_space<semaphore_mem>>) {add = true}
      %add3A_106 = arith.constant 4 : i32
      %add3A_107 = arith.addi %add3A_101, %add3A_106 : i32
      %lt3A_108 = arith.constant 125 : i32
      %lt3A_109 = arith.cmpi slt, %add3A_107, %lt3A_108 : i32
      %convert_element_type3A_110 = arith.extui %lt3A_109 : i1 to i32
      %cond3A_111 = arith.constant 0 : i32
      %cond3A_112 = arith.cmpi ne, %convert_element_type3A_110, %cond3A_111 : i32
      scf.if %cond3A_112 {
        %ge3A = arith.constant 1 : i32
        %ge3A_143 = arith.cmpi sge, %add3A_101, %ge3A : i32
        %convert_element_type3A_144 = arith.extui %ge3A_143 : i1 to i32
        %cond3A_145 = arith.constant 0 : i32
        %cond3A_146 = arith.cmpi ne, %convert_element_type3A_144, %cond3A_145 : i32
        scf.if %cond3A_146 {
          %dma_wait3A_154 = arith.constant 0 : i32
          %dma_wait3A_155 = tpu.memref_slice %arg21[%dma_wait3A_154] : memref<10000xf32, #tpu.memory_space<vmem_shared>> -> memref<10000xf32, #tpu.memory_space<vmem_shared>>
          tpu.wait_indirect_dma semaphore(%arg16 : memref<!tpu.dma_semaphore, #tpu.memory_space<semaphore_mem>>) src(%arg20 : memref<80xf32, #tpu.memory_space<vmem>>) dst(%dma_wait3A_155 : memref<10000xf32, #tpu.memory_space<vmem_shared>>)
        } else {
        }
        %add3A_147 = arith.constant 4 : i32
        %add3A_148 = arith.addi %add3A_101, %add3A_147 : i32
        %mul3A_149 = arith.constant 80 : i32
        %mul3A_150 = arith.muli %add3A_148, %mul3A_149 : i32
        %add3A_151 = arith.addi %mul3A_32, %mul3A_150 : i32
        %dma_start3A_152 = tpu.memref_slice %arg2[%add3A_151] : memref<320000xi32, #tpu.memory_space<hbm>> -> memref<80xi32, #tpu.memory_space<hbm>>
        %dma_start3A_153 = tpu.memref_slice %arg2[%add3A_151] : memref<320000xi32, #tpu.memory_space<hbm>> -> memref<80xi32, #tpu.memory_space<hbm>>
        tpu.enqueue_dma source(%dma_start3A_153 : memref<80xi32, #tpu.memory_space<hbm>>) target(%arg6 : memref<80xi32, #tpu.memory_space<vmem>>) target_semaphore(%arg11 : memref<!tpu.dma_semaphore, #tpu.memory_space<semaphore_mem>>)
      } else {
      }
      %mul3A_113 = arith.constant 5 : i32
      %mul3A_114 = arith.muli %scan3A_68, %mul3A_113 : i32
      %add3A_115 = arith.constant 3 : i32
      %add3A_116 = arith.addi %mul3A_114, %add3A_115 : i32
      %dma_wait3A_117 = tpu.memref_slice %arg2[%mul3A_32] : memref<320000xi32, #tpu.memory_space<hbm>> -> memref<80xi32, #tpu.memory_space<hbm>>
      %dma_wait3A_118 = tpu.memref_slice %arg2[%mul3A_32] : memref<320000xi32, #tpu.memory_space<hbm>> -> memref<80xi32, #tpu.memory_space<hbm>>
      tpu.wait_dma2 semaphore(%arg13 : memref<!tpu.dma_semaphore, #tpu.memory_space<semaphore_mem>>) src(%dma_wait3A_118 : memref<80xi32, #tpu.memory_space<hbm>>) dst(%arg8 : memref<80xi32, #tpu.memory_space<vmem>>)
      %dma_start3A_119 = arith.constant 0 : i32
      %dma_start3A_120 = tpu.memref_slice %arg21[%dma_start3A_119] : memref<10000xf32, #tpu.memory_space<vmem_shared>> -> memref<10000xf32, #tpu.memory_space<vmem_shared>>
      tpu.enqueue_indirect_dma source(%arg20 : memref<80xf32, #tpu.memory_space<vmem>>) target(%dma_start3A_120 : memref<10000xf32, #tpu.memory_space<vmem_shared>>) offsets(%arg8 : memref<80xi32, #tpu.memory_space<vmem>>) semaphore(%arg18 : memref<!tpu.dma_semaphore, #tpu.memory_space<semaphore_mem>>) {add = true}
      %add3A_121 = arith.constant 4 : i32
      %add3A_122 = arith.addi %add3A_116, %add3A_121 : i32
      %lt3A_123 = arith.constant 125 : i32
      %lt3A_124 = arith.cmpi slt, %add3A_122, %lt3A_123 : i32
      %convert_element_type3A_125 = arith.extui %lt3A_124 : i1 to i32
      %cond3A_126 = arith.constant 0 : i32
      %cond3A_127 = arith.cmpi ne, %convert_element_type3A_125, %cond3A_126 : i32
      scf.if %cond3A_127 {
        %ge3A = arith.constant 1 : i32
        %ge3A_143 = arith.cmpi sge, %add3A_116, %ge3A : i32
        %convert_element_type3A_144 = arith.extui %ge3A_143 : i1 to i32
        %cond3A_145 = arith.constant 0 : i32
        %cond3A_146 = arith.cmpi ne, %convert_element_type3A_144, %cond3A_145 : i32
        scf.if %cond3A_146 {
          %dma_wait3A_154 = arith.constant 0 : i32
          %dma_wait3A_155 = tpu.memref_slice %arg21[%dma_wait3A_154] : memref<10000xf32, #tpu.memory_space<vmem_shared>> -> memref<10000xf32, #tpu.memory_space<vmem_shared>>
          tpu.wait_indirect_dma semaphore(%arg17 : memref<!tpu.dma_semaphore, #tpu.memory_space<semaphore_mem>>) src(%arg20 : memref<80xf32, #tpu.memory_space<vmem>>) dst(%dma_wait3A_155 : memref<10000xf32, #tpu.memory_space<vmem_shared>>)
        } else {
        }
        %add3A_147 = arith.constant 4 : i32
        %add3A_148 = arith.addi %add3A_116, %add3A_147 : i32
        %mul3A_149 = arith.constant 80 : i32
        %mul3A_150 = arith.muli %add3A_148, %mul3A_149 : i32
        %add3A_151 = arith.addi %mul3A_32, %mul3A_150 : i32
        %dma_start3A_152 = tpu.memref_slice %arg2[%add3A_151] : memref<320000xi32, #tpu.memory_space<hbm>> -> memref<80xi32, #tpu.memory_space<hbm>>
        %dma_start3A_153 = tpu.memref_slice %arg2[%add3A_151] : memref<320000xi32, #tpu.memory_space<hbm>> -> memref<80xi32, #tpu.memory_space<hbm>>
        tpu.enqueue_dma source(%dma_start3A_153 : memref<80xi32, #tpu.memory_space<hbm>>) target(%arg7 : memref<80xi32, #tpu.memory_space<vmem>>) target_semaphore(%arg12 : memref<!tpu.dma_semaphore, #tpu.memory_space<semaphore_mem>>)
      } else {
      }
      %mul3A_128 = arith.constant 5 : i32
      %mul3A_129 = arith.muli %scan3A_68, %mul3A_128 : i32
      %add3A_130 = arith.constant 4 : i32
      %add3A_131 = arith.addi %mul3A_129, %add3A_130 : i32
      %dma_wait3A_132 = tpu.memref_slice %arg2[%mul3A_32] : memref<320000xi32, #tpu.memory_space<hbm>> -> memref<80xi32, #tpu.memory_space<hbm>>
      %dma_wait3A_133 = tpu.memref_slice %arg2[%mul3A_32] : memref<320000xi32, #tpu.memory_space<hbm>> -> memref<80xi32, #tpu.memory_space<hbm>>
      tpu.wait_dma2 semaphore(%arg14 : memref<!tpu.dma_semaphore, #tpu.memory_space<semaphore_mem>>) src(%dma_wait3A_133 : memref<80xi32, #tpu.memory_space<hbm>>) dst(%arg9 : memref<80xi32, #tpu.memory_space<vmem>>)
      %dma_start3A_134 = arith.constant 0 : i32
      %dma_start3A_135 = tpu.memref_slice %arg21[%dma_start3A_134] : memref<10000xf32, #tpu.memory_space<vmem_shared>> -> memref<10000xf32, #tpu.memory_space<vmem_shared>>
      tpu.enqueue_indirect_dma source(%arg20 : memref<80xf32, #tpu.memory_space<vmem>>) target(%dma_start3A_135 : memref<10000xf32, #tpu.memory_space<vmem_shared>>) offsets(%arg9 : memref<80xi32, #tpu.memory_space<vmem>>) semaphore(%arg19 : memref<!tpu.dma_semaphore, #tpu.memory_space<semaphore_mem>>) {add = true}
      %add3A_136 = arith.constant 4 : i32
      %add3A_137 = arith.addi %add3A_131, %add3A_136 : i32
      %lt3A_138 = arith.constant 125 : i32
      %lt3A_139 = arith.cmpi slt, %add3A_137, %lt3A_138 : i32
      %convert_element_type3A_140 = arith.extui %lt3A_139 : i1 to i32
      %cond3A_141 = arith.constant 0 : i32
      %cond3A_142 = arith.cmpi ne, %convert_element_type3A_140, %cond3A_141 : i32
      scf.if %cond3A_142 {
        %ge3A = arith.constant 1 : i32
        %ge3A_143 = arith.cmpi sge, %add3A_131, %ge3A : i32
        %convert_element_type3A_144 = arith.extui %ge3A_143 : i1 to i32
        %cond3A_145 = arith.constant 0 : i32
        %cond3A_146 = arith.cmpi ne, %convert_element_type3A_144, %cond3A_145 : i32
        scf.if %cond3A_146 {
          %dma_wait3A_154 = arith.constant 0 : i32
          %dma_wait3A_155 = tpu.memref_slice %arg21[%dma_wait3A_154] : memref<10000xf32, #tpu.memory_space<vmem_shared>> -> memref<10000xf32, #tpu.memory_space<vmem_shared>>
          tpu.wait_indirect_dma semaphore(%arg18 : memref<!tpu.dma_semaphore, #tpu.memory_space<semaphore_mem>>) src(%arg20 : memref<80xf32, #tpu.memory_space<vmem>>) dst(%dma_wait3A_155 : memref<10000xf32, #tpu.memory_space<vmem_shared>>)
        } else {
        }
        %add3A_147 = arith.constant 4 : i32
        %add3A_148 = arith.addi %add3A_131, %add3A_147 : i32
        %mul3A_149 = arith.constant 80 : i32
        %mul3A_150 = arith.muli %add3A_148, %mul3A_149 : i32
        %add3A_151 = arith.addi %mul3A_32, %mul3A_150 : i32
        %dma_start3A_152 = tpu.memref_slice %arg2[%add3A_151] : memref<320000xi32, #tpu.memory_space<hbm>> -> memref<80xi32, #tpu.memory_space<hbm>>
        %dma_start3A_153 = tpu.memref_slice %arg2[%add3A_151] : memref<320000xi32, #tpu.memory_space<hbm>> -> memref<80xi32, #tpu.memory_space<hbm>>
        tpu.enqueue_dma source(%dma_start3A_153 : memref<80xi32, #tpu.memory_space<hbm>>) target(%arg8 : memref<80xi32, #tpu.memory_space<vmem>>) target_semaphore(%arg13 : memref<!tpu.dma_semaphore, #tpu.memory_space<semaphore_mem>>)
      } else {
      }
    }
    %scan3A_52 = arith.constant 25 : i32
    %dma_wait3A = arith.constant 0 : i32
    %dma_wait3A_53 = tpu.memref_slice %arg21[%dma_wait3A] : memref<10000xf32, #tpu.memory_space<vmem_shared>> -> memref<10000xf32, #tpu.memory_space<vmem_shared>>
    tpu.wait_indirect_dma semaphore(%arg15 : memref<!tpu.dma_semaphore, #tpu.memory_space<semaphore_mem>>) src(%arg20 : memref<80xf32, #tpu.memory_space<vmem>>) dst(%dma_wait3A_53 : memref<10000xf32, #tpu.memory_space<vmem_shared>>)
    %dma_wait3A_54 = arith.constant 0 : i32
    %dma_wait3A_55 = tpu.memref_slice %arg21[%dma_wait3A_54] : memref<10000xf32, #tpu.memory_space<vmem_shared>> -> memref<10000xf32, #tpu.memory_space<vmem_shared>>
    tpu.wait_indirect_dma semaphore(%arg16 : memref<!tpu.dma_semaphore, #tpu.memory_space<semaphore_mem>>) src(%arg20 : memref<80xf32, #tpu.memory_space<vmem>>) dst(%dma_wait3A_55 : memref<10000xf32, #tpu.memory_space<vmem_shared>>)
    %dma_wait3A_56 = arith.constant 0 : i32
    %dma_wait3A_57 = tpu.memref_slice %arg21[%dma_wait3A_56] : memref<10000xf32, #tpu.memory_space<vmem_shared>> -> memref<10000xf32, #tpu.memory_space<vmem_shared>>
    tpu.wait_indirect_dma semaphore(%arg17 : memref<!tpu.dma_semaphore, #tpu.memory_space<semaphore_mem>>) src(%arg20 : memref<80xf32, #tpu.memory_space<vmem>>) dst(%dma_wait3A_57 : memref<10000xf32, #tpu.memory_space<vmem_shared>>)
    %dma_wait3A_58 = arith.constant 0 : i32
    %dma_wait3A_59 = tpu.memref_slice %arg21[%dma_wait3A_58] : memref<10000xf32, #tpu.memory_space<vmem_shared>> -> memref<10000xf32, #tpu.memory_space<vmem_shared>>
    tpu.wait_indirect_dma semaphore(%arg18 : memref<!tpu.dma_semaphore, #tpu.memory_space<semaphore_mem>>) src(%arg20 : memref<80xf32, #tpu.memory_space<vmem>>) dst(%dma_wait3A_59 : memref<10000xf32, #tpu.memory_space<vmem_shared>>)
    %dma_wait3A_60 = arith.constant 0 : i32
    %dma_wait3A_61 = tpu.memref_slice %arg21[%dma_wait3A_60] : memref<10000xf32, #tpu.memory_space<vmem_shared>> -> memref<10000xf32, #tpu.memory_space<vmem_shared>>
    tpu.wait_indirect_dma semaphore(%arg19 : memref<!tpu.dma_semaphore, #tpu.memory_space<semaphore_mem>>) src(%arg20 : memref<80xf32, #tpu.memory_space<vmem>>) dst(%dma_wait3A_61 : memref<10000xf32, #tpu.memory_space<vmem_shared>>)
    %barrier3A_62 = arith.constant 0 : index
    tpu.barrier barrier_id(%barrier3A_62)
    %eq3A_63 = arith.constant 0 : i32
    %eq3A_64 = arith.cmpi eq, %arg1, %eq3A_63 : i32
    %convert_element_type3A_65 = arith.extui %eq3A_64 : i1 to i32
    %cond3A_66 = arith.constant 0 : i32
    %cond3A_67 = arith.cmpi ne, %convert_element_type3A_65, %cond3A_66 : i32
    scf.if %cond3A_67 {
      "tpu.region"() ({
        %run_scoped3A = tpu.sem_alloc : memref<!tpu.dma_semaphore, #tpu.memory_space<semaphore_mem>>
        %dma_start3A_68 = arith.constant 0 : i32
        %dma_start3A_69 = tpu.memref_slice %arg4[%arg0, %dma_start3A_68] : memref<2x10000xf32, #tpu.memory_space<hbm>> -> memref<1x10000xf32, #tpu.memory_space<hbm>>
        %dma_start3A_70 = tpu.memref_squeeze %dma_start3A_69 : memref<1x10000xf32, #tpu.memory_space<hbm>> -> memref<10000xf32, #tpu.memory_space<hbm>>
        tpu.enqueue_dma source(%arg21 : memref<10000xf32, #tpu.memory_space<vmem_shared>>) target(%dma_start3A_70 : memref<10000xf32, #tpu.memory_space<hbm>>) target_semaphore(%run_scoped3A : memref<!tpu.dma_semaphore, #tpu.memory_space<semaphore_mem>>)
        %dma_wait3A_71 = arith.constant 0 : i32
        %dma_wait3A_72 = tpu.memref_slice %arg4[%arg0, %dma_wait3A_71] : memref<2x10000xf32, #tpu.memory_space<hbm>> -> memref<1x10000xf32, #tpu.memory_space<hbm>>
        %dma_wait3A_73 = tpu.memref_squeeze %dma_wait3A_72 : memref<1x10000xf32, #tpu.memory_space<hbm>> -> memref<10000xf32, #tpu.memory_space<hbm>>
        tpu.wait_dma2 semaphore(%run_scoped3A : memref<!tpu.dma_semaphore, #tpu.memory_space<semaphore_mem>>) src(%arg21 : memref<10000xf32, #tpu.memory_space<vmem_shared>>) dst(%dma_wait3A_73 : memref<10000xf32, #tpu.memory_space<hbm>>)
        tpu.yield
      }) : () -> ()
    } else {
    }
    return
  }
}

#map = affine_map<(d0, d1) -> (0)>
#map1 = affine_map<(d0, d1) -> (0, 0)>
#map2 = affine_map<(d0, d1) -> (0, 0, 0)>
module attributes {stable_mosaic.version = 14 : i64} {
  func.func @_edge_body(%arg0: i32, %arg1: i32, %arg2: memref<320000xi32, #tpu.memory_space<hbm>>, %arg3: memref<320000xi32, #tpu.memory_space<hbm>>, %arg4: memref<10000x128xf32, #tpu.memory_space<hbm>>, %arg5: memref<2x10000x128xf32, #tpu.memory_space<hbm>>, %arg6: memref<10000xi32, #tpu.memory_space<vmem>>, %arg7: memref<40xi32, #tpu.memory_space<vmem>>, %arg8: memref<40xi32, #tpu.memory_space<vmem>>, %arg9: memref<40xi32, #tpu.memory_space<vmem>>, %arg10: memref<40xi32, #tpu.memory_space<vmem>>, %arg11: memref<40xi32, #tpu.memory_space<vmem>>, %arg12: memref<40xi32, #tpu.memory_space<vmem>>, %arg13: memref<40xi32, #tpu.memory_space<vmem>>, %arg14: memref<40x128xf32, #tpu.memory_space<vmem>>, %arg15: memref<40x128xf32, #tpu.memory_space<vmem>>, %arg16: memref<40x128xf32, #tpu.memory_space<vmem>>, %arg17: memref<40x128xf32, #tpu.memory_space<vmem>>, %arg18: memref<40x128xf32, #tpu.memory_space<vmem>>, %arg19: memref<40x128xf32, #tpu.memory_space<vmem>>, %arg20: memref<40x128xf32, #tpu.memory_space<vmem>>, %arg21: memref<!tpu.dma_semaphore, #tpu.memory_space<semaphore_mem>>, %arg22: memref<!tpu.dma_semaphore, #tpu.memory_space<semaphore_mem>>, %arg23: memref<!tpu.dma_semaphore, #tpu.memory_space<semaphore_mem>>, %arg24: memref<!tpu.dma_semaphore, #tpu.memory_space<semaphore_mem>>, %arg25: memref<!tpu.dma_semaphore, #tpu.memory_space<semaphore_mem>>, %arg26: memref<!tpu.dma_semaphore, #tpu.memory_space<semaphore_mem>>, %arg27: memref<!tpu.dma_semaphore, #tpu.memory_space<semaphore_mem>>, %arg28: memref<!tpu.dma_semaphore, #tpu.memory_space<semaphore_mem>>, %arg29: memref<!tpu.dma_semaphore, #tpu.memory_space<semaphore_mem>>, %arg30: memref<!tpu.dma_semaphore, #tpu.memory_space<semaphore_mem>>, %arg31: memref<!tpu.dma_semaphore, #tpu.memory_space<semaphore_mem>>, %arg32: memref<!tpu.dma_semaphore, #tpu.memory_space<semaphore_mem>>, %arg33: memref<!tpu.dma_semaphore, #tpu.memory_space<semaphore_mem>>, %arg34: memref<!tpu.dma_semaphore, #tpu.memory_space<semaphore_mem>>, %arg35: memref<!tpu.dma_semaphore, #tpu.memory_space<semaphore_mem>>, %arg36: memref<!tpu.dma_semaphore, #tpu.memory_space<semaphore_mem>>, %arg37: memref<!tpu.dma_semaphore, #tpu.memory_space<semaphore_mem>>, %arg38: memref<!tpu.dma_semaphore, #tpu.memory_space<semaphore_mem>>, %arg39: memref<!tpu.dma_semaphore, #tpu.memory_space<semaphore_mem>>, %arg40: memref<!tpu.dma_semaphore, #tpu.memory_space<semaphore_mem>>, %arg41: memref<!tpu.dma_semaphore, #tpu.memory_space<semaphore_mem>>, %arg42: memref<10000x128xf32, #tpu.memory_space<vmem_shared>>) attributes {dimension_semantics = [#tpu.dimension_semantics<core_parallel>, #tpu.dimension_semantics<subcore_parallel>], iteration_bounds = array<i64: 2, 16>, scalar_prefetch = 0 : i64, scratch_operands = 37 : i64, tpu.core_type = #tpu.core_type<sc_vector_subcore>, window_params = [{transform_indices = #map}, {transform_indices = #map}, {transform_indices = #map1}, {transform_indices = #map2}]} {
    %lt3A = arith.constant 15 : i32
    %lt3A_0 = arith.cmpi slt, %arg1, %lt3A : i32
    %convert_element_type3A = arith.extui %lt3A_0 : i1 to i32
    %cond3A = arith.constant 0 : i32
    %cond3A_1 = arith.cmpi ne, %convert_element_type3A, %cond3A : i32
    scf.if %cond3A_1 {
      %mul3A_139 = arith.constant 624 : i32
      %mul3A_140 = arith.muli %arg1, %mul3A_139 : i32
      "tpu.region"() ({
        %run_scoped3A = tpu.sem_alloc : memref<!tpu.dma_semaphore, #tpu.memory_space<semaphore_mem>>
        %dma_start3A_141 = arith.constant 0 : i32
        %dma_start3A_142 = tpu.memref_slice %arg42[%mul3A_140, %dma_start3A_141] : memref<10000x128xf32, #tpu.memory_space<vmem_shared>> -> memref<624x128xf32, #tpu.memory_space<vmem_shared>>
        %dma_start3A_143 = arith.constant 0 : i32
        %dma_start3A_144 = tpu.memref_slice %arg4[%mul3A_140, %dma_start3A_143] : memref<10000x128xf32, #tpu.memory_space<hbm>> -> memref<624x128xf32, #tpu.memory_space<hbm>>
        tpu.enqueue_dma source(%dma_start3A_144 : memref<624x128xf32, #tpu.memory_space<hbm>>) target(%dma_start3A_142 : memref<624x128xf32, #tpu.memory_space<vmem_shared>>) target_semaphore(%run_scoped3A : memref<!tpu.dma_semaphore, #tpu.memory_space<semaphore_mem>>)
        %dma_wait3A_145 = arith.constant 0 : i32
        %dma_wait3A_146 = tpu.memref_slice %arg42[%mul3A_140, %dma_wait3A_145] : memref<10000x128xf32, #tpu.memory_space<vmem_shared>> -> memref<624x128xf32, #tpu.memory_space<vmem_shared>>
        %dma_wait3A_147 = arith.constant 0 : i32
        %dma_wait3A_148 = tpu.memref_slice %arg4[%mul3A_140, %dma_wait3A_147] : memref<10000x128xf32, #tpu.memory_space<hbm>> -> memref<624x128xf32, #tpu.memory_space<hbm>>
        tpu.wait_dma2 semaphore(%run_scoped3A : memref<!tpu.dma_semaphore, #tpu.memory_space<semaphore_mem>>) src(%dma_wait3A_148 : memref<624x128xf32, #tpu.memory_space<hbm>>) dst(%dma_wait3A_146 : memref<624x128xf32, #tpu.memory_space<vmem_shared>>)
        tpu.yield
      }) : () -> ()
    } else {
    }
    %eq3A = arith.constant 15 : i32
    %eq3A_2 = arith.cmpi eq, %arg1, %eq3A : i32
    %convert_element_type3A_3 = arith.extui %eq3A_2 : i1 to i32
    %cond3A_4 = arith.constant 0 : i32
    %cond3A_5 = arith.cmpi ne, %convert_element_type3A_3, %cond3A_4 : i32
    scf.if %cond3A_5 {
      "tpu.region"() ({
        %run_scoped3A = tpu.sem_alloc : memref<!tpu.dma_semaphore, #tpu.memory_space<semaphore_mem>>
        %dma_start3A_139 = arith.constant 9360 : i32
        %dma_start3A_140 = arith.constant 0 : i32
        %dma_start3A_141 = tpu.memref_slice %arg42[%dma_start3A_139, %dma_start3A_140] : memref<10000x128xf32, #tpu.memory_space<vmem_shared>> -> memref<640x128xf32, #tpu.memory_space<vmem_shared>>
        %dma_start3A_142 = arith.constant 9360 : i32
        %dma_start3A_143 = arith.constant 0 : i32
        %dma_start3A_144 = tpu.memref_slice %arg4[%dma_start3A_142, %dma_start3A_143] : memref<10000x128xf32, #tpu.memory_space<hbm>> -> memref<640x128xf32, #tpu.memory_space<hbm>>
        tpu.enqueue_dma source(%dma_start3A_144 : memref<640x128xf32, #tpu.memory_space<hbm>>) target(%dma_start3A_141 : memref<640x128xf32, #tpu.memory_space<vmem_shared>>) target_semaphore(%run_scoped3A : memref<!tpu.dma_semaphore, #tpu.memory_space<semaphore_mem>>)
        %dma_wait3A_145 = arith.constant 9360 : i32
        %dma_wait3A_146 = arith.constant 0 : i32
        %dma_wait3A_147 = tpu.memref_slice %arg42[%dma_wait3A_145, %dma_wait3A_146] : memref<10000x128xf32, #tpu.memory_space<vmem_shared>> -> memref<640x128xf32, #tpu.memory_space<vmem_shared>>
        %dma_wait3A_148 = arith.constant 9360 : i32
        %dma_wait3A_149 = arith.constant 0 : i32
        %dma_wait3A_150 = tpu.memref_slice %arg4[%dma_wait3A_148, %dma_wait3A_149] : memref<10000x128xf32, #tpu.memory_space<hbm>> -> memref<640x128xf32, #tpu.memory_space<hbm>>
        tpu.wait_dma2 semaphore(%run_scoped3A : memref<!tpu.dma_semaphore, #tpu.memory_space<semaphore_mem>>) src(%dma_wait3A_150 : memref<640x128xf32, #tpu.memory_space<hbm>>) dst(%dma_wait3A_147 : memref<640x128xf32, #tpu.memory_space<vmem_shared>>)
        tpu.yield
      }) : () -> ()
    } else {
    }
    %mul3A = arith.constant 16 : i32
    %mul3A_6 = arith.muli %arg0, %mul3A : i32
    %add3A = arith.addi %mul3A_6, %arg1 : i32
    %mul3A_7 = arith.constant 10000 : i32
    %mul3A_8 = arith.muli %add3A, %mul3A_7 : i32
    "tpu.region"() ({
      %run_scoped3A = tpu.sem_alloc : memref<!tpu.dma_semaphore, #tpu.memory_space<semaphore_mem>>
      %dma_start3A_139 = tpu.memref_slice %arg2[%mul3A_8] : memref<320000xi32, #tpu.memory_space<hbm>> -> memref<10000xi32, #tpu.memory_space<hbm>>
      %dma_start3A_140 = tpu.memref_slice %arg2[%mul3A_8] : memref<320000xi32, #tpu.memory_space<hbm>> -> memref<10000xi32, #tpu.memory_space<hbm>>
      tpu.enqueue_dma source(%dma_start3A_140 : memref<10000xi32, #tpu.memory_space<hbm>>) target(%arg6 : memref<10000xi32, #tpu.memory_space<vmem>>) target_semaphore(%run_scoped3A : memref<!tpu.dma_semaphore, #tpu.memory_space<semaphore_mem>>)
      %dma_wait3A_141 = tpu.memref_slice %arg2[%mul3A_8] : memref<320000xi32, #tpu.memory_space<hbm>> -> memref<10000xi32, #tpu.memory_space<hbm>>
      %dma_wait3A_142 = tpu.memref_slice %arg2[%mul3A_8] : memref<320000xi32, #tpu.memory_space<hbm>> -> memref<10000xi32, #tpu.memory_space<hbm>>
      tpu.wait_dma2 semaphore(%run_scoped3A : memref<!tpu.dma_semaphore, #tpu.memory_space<semaphore_mem>>) src(%dma_wait3A_142 : memref<10000xi32, #tpu.memory_space<hbm>>) dst(%arg6 : memref<10000xi32, #tpu.memory_space<vmem>>)
      tpu.yield
    }) : () -> ()
    %barrier3A = arith.constant 0 : index
    tpu.barrier barrier_id(%barrier3A)
    %add3A_9 = arith.constant 0 : i32
    %add3A_10 = arith.addi %mul3A_8, %add3A_9 : i32
    %dma_start3A = tpu.memref_slice %arg3[%add3A_10] : memref<320000xi32, #tpu.memory_space<hbm>> -> memref<40xi32, #tpu.memory_space<hbm>>
    %dma_start3A_11 = tpu.memref_slice %arg3[%add3A_10] : memref<320000xi32, #tpu.memory_space<hbm>> -> memref<40xi32, #tpu.memory_space<hbm>>
    tpu.enqueue_dma source(%dma_start3A_11 : memref<40xi32, #tpu.memory_space<hbm>>) target(%arg7 : memref<40xi32, #tpu.memory_space<vmem>>) target_semaphore(%arg21 : memref<!tpu.dma_semaphore, #tpu.memory_space<semaphore_mem>>)
    %dma_start3A_12 = arith.constant 0 : i32
    %dma_start3A_13 = tpu.memref_slice %arg6[%dma_start3A_12] : memref<10000xi32, #tpu.memory_space<vmem>> -> memref<40xi32, #tpu.memory_space<vmem>>
    %dma_start3A_14 = arith.constant 0 : i32
    %dma_start3A_15 = arith.constant 0 : i32
    %dma_start3A_16 = tpu.memref_slice %arg4[%dma_start3A_14, %dma_start3A_15] : memref<10000x128xf32, #tpu.memory_space<hbm>> -> memref<10000x128xf32, #tpu.memory_space<hbm>>
    tpu.enqueue_indirect_dma source(%dma_start3A_16 : memref<10000x128xf32, #tpu.memory_space<hbm>>) target(%arg14 : memref<40x128xf32, #tpu.memory_space<vmem>>) offsets(%dma_start3A_13 : memref<40xi32, #tpu.memory_space<vmem>>) semaphore(%arg28 : memref<!tpu.dma_semaphore, #tpu.memory_space<semaphore_mem>>)
    %add3A_17 = arith.constant 40 : i32
    %add3A_18 = arith.addi %mul3A_8, %add3A_17 : i32
    %dma_start3A_19 = tpu.memref_slice %arg3[%add3A_18] : memref<320000xi32, #tpu.memory_space<hbm>> -> memref<40xi32, #tpu.memory_space<hbm>>
    %dma_start3A_20 = tpu.memref_slice %arg3[%add3A_18] : memref<320000xi32, #tpu.memory_space<hbm>> -> memref<40xi32, #tpu.memory_space<hbm>>
    tpu.enqueue_dma source(%dma_start3A_20 : memref<40xi32, #tpu.memory_space<hbm>>) target(%arg8 : memref<40xi32, #tpu.memory_space<vmem>>) target_semaphore(%arg22 : memref<!tpu.dma_semaphore, #tpu.memory_space<semaphore_mem>>)
    %dma_start3A_21 = arith.constant 40 : i32
    %dma_start3A_22 = tpu.memref_slice %arg6[%dma_start3A_21] : memref<10000xi32, #tpu.memory_space<vmem>> -> memref<40xi32, #tpu.memory_space<vmem>>
    %dma_start3A_23 = arith.constant 0 : i32
    %dma_start3A_24 = arith.constant 0 : i32
    %dma_start3A_25 = tpu.memref_slice %arg4[%dma_start3A_23, %dma_start3A_24] : memref<10000x128xf32, #tpu.memory_space<hbm>> -> memref<10000x128xf32, #tpu.memory_space<hbm>>
    tpu.enqueue_indirect_dma source(%dma_start3A_25 : memref<10000x128xf32, #tpu.memory_space<hbm>>) target(%arg15 : memref<40x128xf32, #tpu.memory_space<vmem>>) offsets(%dma_start3A_22 : memref<40xi32, #tpu.memory_space<vmem>>) semaphore(%arg29 : memref<!tpu.dma_semaphore, #tpu.memory_space<semaphore_mem>>)
    %add3A_26 = arith.constant 80 : i32
    %add3A_27 = arith.addi %mul3A_8, %add3A_26 : i32
    %dma_start3A_28 = tpu.memref_slice %arg3[%add3A_27] : memref<320000xi32, #tpu.memory_space<hbm>> -> memref<40xi32, #tpu.memory_space<hbm>>
    %dma_start3A_29 = tpu.memref_slice %arg3[%add3A_27] : memref<320000xi32, #tpu.memory_space<hbm>> -> memref<40xi32, #tpu.memory_space<hbm>>
    tpu.enqueue_dma source(%dma_start3A_29 : memref<40xi32, #tpu.memory_space<hbm>>) target(%arg9 : memref<40xi32, #tpu.memory_space<vmem>>) target_semaphore(%arg23 : memref<!tpu.dma_semaphore, #tpu.memory_space<semaphore_mem>>)
    %dma_start3A_30 = arith.constant 80 : i32
    %dma_start3A_31 = tpu.memref_slice %arg6[%dma_start3A_30] : memref<10000xi32, #tpu.memory_space<vmem>> -> memref<40xi32, #tpu.memory_space<vmem>>
    %dma_start3A_32 = arith.constant 0 : i32
    %dma_start3A_33 = arith.constant 0 : i32
    %dma_start3A_34 = tpu.memref_slice %arg4[%dma_start3A_32, %dma_start3A_33] : memref<10000x128xf32, #tpu.memory_space<hbm>> -> memref<10000x128xf32, #tpu.memory_space<hbm>>
    tpu.enqueue_indirect_dma source(%dma_start3A_34 : memref<10000x128xf32, #tpu.memory_space<hbm>>) target(%arg16 : memref<40x128xf32, #tpu.memory_space<vmem>>) offsets(%dma_start3A_31 : memref<40xi32, #tpu.memory_space<vmem>>) semaphore(%arg30 : memref<!tpu.dma_semaphore, #tpu.memory_space<semaphore_mem>>)
    %add3A_35 = arith.constant 120 : i32
    %add3A_36 = arith.addi %mul3A_8, %add3A_35 : i32
    %dma_start3A_37 = tpu.memref_slice %arg3[%add3A_36] : memref<320000xi32, #tpu.memory_space<hbm>> -> memref<40xi32, #tpu.memory_space<hbm>>
    %dma_start3A_38 = tpu.memref_slice %arg3[%add3A_36] : memref<320000xi32, #tpu.memory_space<hbm>> -> memref<40xi32, #tpu.memory_space<hbm>>
    tpu.enqueue_dma source(%dma_start3A_38 : memref<40xi32, #tpu.memory_space<hbm>>) target(%arg10 : memref<40xi32, #tpu.memory_space<vmem>>) target_semaphore(%arg24 : memref<!tpu.dma_semaphore, #tpu.memory_space<semaphore_mem>>)
    %dma_start3A_39 = arith.constant 120 : i32
    %dma_start3A_40 = tpu.memref_slice %arg6[%dma_start3A_39] : memref<10000xi32, #tpu.memory_space<vmem>> -> memref<40xi32, #tpu.memory_space<vmem>>
    %dma_start3A_41 = arith.constant 0 : i32
    %dma_start3A_42 = arith.constant 0 : i32
    %dma_start3A_43 = tpu.memref_slice %arg4[%dma_start3A_41, %dma_start3A_42] : memref<10000x128xf32, #tpu.memory_space<hbm>> -> memref<10000x128xf32, #tpu.memory_space<hbm>>
    tpu.enqueue_indirect_dma source(%dma_start3A_43 : memref<10000x128xf32, #tpu.memory_space<hbm>>) target(%arg17 : memref<40x128xf32, #tpu.memory_space<vmem>>) offsets(%dma_start3A_40 : memref<40xi32, #tpu.memory_space<vmem>>) semaphore(%arg31 : memref<!tpu.dma_semaphore, #tpu.memory_space<semaphore_mem>>)
    %add3A_44 = arith.constant 160 : i32
    %add3A_45 = arith.addi %mul3A_8, %add3A_44 : i32
    %dma_start3A_46 = tpu.memref_slice %arg3[%add3A_45] : memref<320000xi32, #tpu.memory_space<hbm>> -> memref<40xi32, #tpu.memory_space<hbm>>
    %dma_start3A_47 = tpu.memref_slice %arg3[%add3A_45] : memref<320000xi32, #tpu.memory_space<hbm>> -> memref<40xi32, #tpu.memory_space<hbm>>
    tpu.enqueue_dma source(%dma_start3A_47 : memref<40xi32, #tpu.memory_space<hbm>>) target(%arg11 : memref<40xi32, #tpu.memory_space<vmem>>) target_semaphore(%arg25 : memref<!tpu.dma_semaphore, #tpu.memory_space<semaphore_mem>>)
    %dma_start3A_48 = arith.constant 160 : i32
    %dma_start3A_49 = tpu.memref_slice %arg6[%dma_start3A_48] : memref<10000xi32, #tpu.memory_space<vmem>> -> memref<40xi32, #tpu.memory_space<vmem>>
    %dma_start3A_50 = arith.constant 0 : i32
    %dma_start3A_51 = arith.constant 0 : i32
    %dma_start3A_52 = tpu.memref_slice %arg4[%dma_start3A_50, %dma_start3A_51] : memref<10000x128xf32, #tpu.memory_space<hbm>> -> memref<10000x128xf32, #tpu.memory_space<hbm>>
    tpu.enqueue_indirect_dma source(%dma_start3A_52 : memref<10000x128xf32, #tpu.memory_space<hbm>>) target(%arg18 : memref<40x128xf32, #tpu.memory_space<vmem>>) offsets(%dma_start3A_49 : memref<40xi32, #tpu.memory_space<vmem>>) semaphore(%arg32 : memref<!tpu.dma_semaphore, #tpu.memory_space<semaphore_mem>>)
    %scan3A = arith.constant 0 : i32
    %scan3A_53 = arith.constant 0 : i32
    %scan3A_54 = arith.constant 35 : i32
    %scan3A_55 = arith.addi %scan3A_53, %scan3A_54 : i32
    %scan3A_56 = arith.constant 1 : i32
    scf.for %scan3A_139 = %scan3A_53 to %scan3A_55 step %scan3A_56  : i32 {
      %mul3A_140 = arith.constant 7 : i32
      %mul3A_141 = arith.muli %scan3A_139, %mul3A_140 : i32
      %add3A_142 = arith.constant 0 : i32
      %add3A_143 = arith.addi %mul3A_141, %add3A_142 : i32
      %dma_wait3A_144 = arith.constant 0 : i32
      %dma_wait3A_145 = tpu.memref_slice %arg6[%dma_wait3A_144] : memref<10000xi32, #tpu.memory_space<vmem>> -> memref<40xi32, #tpu.memory_space<vmem>>
      %dma_wait3A_146 = arith.constant 0 : i32
      %dma_wait3A_147 = arith.constant 0 : i32
      %dma_wait3A_148 = tpu.memref_slice %arg4[%dma_wait3A_146, %dma_wait3A_147] : memref<10000x128xf32, #tpu.memory_space<hbm>> -> memref<10000x128xf32, #tpu.memory_space<hbm>>
      tpu.wait_indirect_dma semaphore(%arg28 : memref<!tpu.dma_semaphore, #tpu.memory_space<semaphore_mem>>) src(%dma_wait3A_148 : memref<10000x128xf32, #tpu.memory_space<hbm>>) dst(%arg14 : memref<40x128xf32, #tpu.memory_space<vmem>>)
      %dma_wait3A_149 = tpu.memref_slice %arg3[%mul3A_8] : memref<320000xi32, #tpu.memory_space<hbm>> -> memref<40xi32, #tpu.memory_space<hbm>>
      %dma_wait3A_150 = tpu.memref_slice %arg3[%mul3A_8] : memref<320000xi32, #tpu.memory_space<hbm>> -> memref<40xi32, #tpu.memory_space<hbm>>
      tpu.wait_dma2 semaphore(%arg21 : memref<!tpu.dma_semaphore, #tpu.memory_space<semaphore_mem>>) src(%dma_wait3A_150 : memref<40xi32, #tpu.memory_space<hbm>>) dst(%arg7 : memref<40xi32, #tpu.memory_space<vmem>>)
      %dma_start3A_151 = arith.constant 0 : i32
      %dma_start3A_152 = arith.constant 0 : i32
      %dma_start3A_153 = tpu.memref_slice %arg42[%dma_start3A_151, %dma_start3A_152] : memref<10000x128xf32, #tpu.memory_space<vmem_shared>> -> memref<10000x128xf32, #tpu.memory_space<vmem_shared>>
      tpu.enqueue_indirect_dma source(%arg14 : memref<40x128xf32, #tpu.memory_space<vmem>>) target(%dma_start3A_153 : memref<10000x128xf32, #tpu.memory_space<vmem_shared>>) offsets(%arg7 : memref<40xi32, #tpu.memory_space<vmem>>) semaphore(%arg35 : memref<!tpu.dma_semaphore, #tpu.memory_space<semaphore_mem>>) {add = true}
      %add3A_154 = arith.constant 5 : i32
      %add3A_155 = arith.addi %add3A_143, %add3A_154 : i32
      %lt3A_156 = arith.constant 250 : i32
      %lt3A_157 = arith.cmpi slt, %add3A_155, %lt3A_156 : i32
      %convert_element_type3A_158 = arith.extui %lt3A_157 : i1 to i32
      %cond3A_159 = arith.constant 0 : i32
      %cond3A_160 = arith.cmpi ne, %convert_element_type3A_158, %cond3A_159 : i32
      scf.if %cond3A_160 {
        %ge3A = arith.constant 2 : i32
        %ge3A_287 = arith.cmpi sge, %add3A_143, %ge3A : i32
        %convert_element_type3A_288 = arith.extui %ge3A_287 : i1 to i32
        %cond3A_289 = arith.constant 0 : i32
        %cond3A_290 = arith.cmpi ne, %convert_element_type3A_288, %cond3A_289 : i32
        scf.if %cond3A_290 {
          %dma_wait3A_304 = arith.constant 0 : i32
          %dma_wait3A_305 = arith.constant 0 : i32
          %dma_wait3A_306 = tpu.memref_slice %arg42[%dma_wait3A_304, %dma_wait3A_305] : memref<10000x128xf32, #tpu.memory_space<vmem_shared>> -> memref<10000x128xf32, #tpu.memory_space<vmem_shared>>
          tpu.wait_indirect_dma semaphore(%arg40 : memref<!tpu.dma_semaphore, #tpu.memory_space<semaphore_mem>>) src(%arg19 : memref<40x128xf32, #tpu.memory_space<vmem>>) dst(%dma_wait3A_306 : memref<10000x128xf32, #tpu.memory_space<vmem_shared>>)
        } else {
        }
        %add3A_291 = arith.constant 5 : i32
        %add3A_292 = arith.addi %add3A_143, %add3A_291 : i32
        %mul3A_293 = arith.constant 40 : i32
        %mul3A_294 = arith.muli %add3A_292, %mul3A_293 : i32
        %add3A_295 = arith.addi %mul3A_8, %mul3A_294 : i32
        %dma_start3A_296 = tpu.memref_slice %arg3[%add3A_295] : memref<320000xi32, #tpu.memory_space<hbm>> -> memref<40xi32, #tpu.memory_space<hbm>>
        %dma_start3A_297 = tpu.memref_slice %arg3[%add3A_295] : memref<320000xi32, #tpu.memory_space<hbm>> -> memref<40xi32, #tpu.memory_space<hbm>>
        tpu.enqueue_dma source(%dma_start3A_297 : memref<40xi32, #tpu.memory_space<hbm>>) target(%arg12 : memref<40xi32, #tpu.memory_space<vmem>>) target_semaphore(%arg26 : memref<!tpu.dma_semaphore, #tpu.memory_space<semaphore_mem>>)
        %mul3A_298 = arith.constant 40 : i32
        %mul3A_299 = arith.muli %add3A_292, %mul3A_298 : i32
        %dma_start3A_300 = tpu.memref_slice %arg6[%mul3A_299] : memref<10000xi32, #tpu.memory_space<vmem>> -> memref<40xi32, #tpu.memory_space<vmem>>
        %dma_start3A_301 = arith.constant 0 : i32
        %dma_start3A_302 = arith.constant 0 : i32
        %dma_start3A_303 = tpu.memref_slice %arg4[%dma_start3A_301, %dma_start3A_302] : memref<10000x128xf32, #tpu.memory_space<hbm>> -> memref<10000x128xf32, #tpu.memory_space<hbm>>
        tpu.enqueue_indirect_dma source(%dma_start3A_303 : memref<10000x128xf32, #tpu.memory_space<hbm>>) target(%arg19 : memref<40x128xf32, #tpu.memory_space<vmem>>) offsets(%dma_start3A_300 : memref<40xi32, #tpu.memory_space<vmem>>) semaphore(%arg33 : memref<!tpu.dma_semaphore, #tpu.memory_space<semaphore_mem>>)
      } else {
      }
      %mul3A_161 = arith.constant 7 : i32
      %mul3A_162 = arith.muli %scan3A_139, %mul3A_161 : i32
      %add3A_163 = arith.constant 1 : i32
      %add3A_164 = arith.addi %mul3A_162, %add3A_163 : i32
      %dma_wait3A_165 = arith.constant 0 : i32
      %dma_wait3A_166 = tpu.memref_slice %arg6[%dma_wait3A_165] : memref<10000xi32, #tpu.memory_space<vmem>> -> memref<40xi32, #tpu.memory_space<vmem>>
      %dma_wait3A_167 = arith.constant 0 : i32
      %dma_wait3A_168 = arith.constant 0 : i32
      %dma_wait3A_169 = tpu.memref_slice %arg4[%dma_wait3A_167, %dma_wait3A_168] : memref<10000x128xf32, #tpu.memory_space<hbm>> -> memref<10000x128xf32, #tpu.memory_space<hbm>>
      tpu.wait_indirect_dma semaphore(%arg29 : memref<!tpu.dma_semaphore, #tpu.memory_space<semaphore_mem>>) src(%dma_wait3A_169 : memref<10000x128xf32, #tpu.memory_space<hbm>>) dst(%arg15 : memref<40x128xf32, #tpu.memory_space<vmem>>)
      %dma_wait3A_170 = tpu.memref_slice %arg3[%mul3A_8] : memref<320000xi32, #tpu.memory_space<hbm>> -> memref<40xi32, #tpu.memory_space<hbm>>
      %dma_wait3A_171 = tpu.memref_slice %arg3[%mul3A_8] : memref<320000xi32, #tpu.memory_space<hbm>> -> memref<40xi32, #tpu.memory_space<hbm>>
      tpu.wait_dma2 semaphore(%arg22 : memref<!tpu.dma_semaphore, #tpu.memory_space<semaphore_mem>>) src(%dma_wait3A_171 : memref<40xi32, #tpu.memory_space<hbm>>) dst(%arg8 : memref<40xi32, #tpu.memory_space<vmem>>)
      %dma_start3A_172 = arith.constant 0 : i32
      %dma_start3A_173 = arith.constant 0 : i32
      %dma_start3A_174 = tpu.memref_slice %arg42[%dma_start3A_172, %dma_start3A_173] : memref<10000x128xf32, #tpu.memory_space<vmem_shared>> -> memref<10000x128xf32, #tpu.memory_space<vmem_shared>>
      tpu.enqueue_indirect_dma source(%arg15 : memref<40x128xf32, #tpu.memory_space<vmem>>) target(%dma_start3A_174 : memref<10000x128xf32, #tpu.memory_space<vmem_shared>>) offsets(%arg8 : memref<40xi32, #tpu.memory_space<vmem>>) semaphore(%arg36 : memref<!tpu.dma_semaphore, #tpu.memory_space<semaphore_mem>>) {add = true}
      %add3A_175 = arith.constant 5 : i32
      %add3A_176 = arith.addi %add3A_164, %add3A_175 : i32
      %lt3A_177 = arith.constant 250 : i32
      %lt3A_178 = arith.cmpi slt, %add3A_176, %lt3A_177 : i32
      %convert_element_type3A_179 = arith.extui %lt3A_178 : i1 to i32
      %cond3A_180 = arith.constant 0 : i32
      %cond3A_181 = arith.cmpi ne, %convert_element_type3A_179, %cond3A_180 : i32
      scf.if %cond3A_181 {
        %ge3A = arith.constant 2 : i32
        %ge3A_287 = arith.cmpi sge, %add3A_164, %ge3A : i32
        %convert_element_type3A_288 = arith.extui %ge3A_287 : i1 to i32
        %cond3A_289 = arith.constant 0 : i32
        %cond3A_290 = arith.cmpi ne, %convert_element_type3A_288, %cond3A_289 : i32
        scf.if %cond3A_290 {
          %dma_wait3A_304 = arith.constant 0 : i32
          %dma_wait3A_305 = arith.constant 0 : i32
          %dma_wait3A_306 = tpu.memref_slice %arg42[%dma_wait3A_304, %dma_wait3A_305] : memref<10000x128xf32, #tpu.memory_space<vmem_shared>> -> memref<10000x128xf32, #tpu.memory_space<vmem_shared>>
          tpu.wait_indirect_dma semaphore(%arg41 : memref<!tpu.dma_semaphore, #tpu.memory_space<semaphore_mem>>) src(%arg20 : memref<40x128xf32, #tpu.memory_space<vmem>>) dst(%dma_wait3A_306 : memref<10000x128xf32, #tpu.memory_space<vmem_shared>>)
        } else {
        }
        %add3A_291 = arith.constant 5 : i32
        %add3A_292 = arith.addi %add3A_164, %add3A_291 : i32
        %mul3A_293 = arith.constant 40 : i32
        %mul3A_294 = arith.muli %add3A_292, %mul3A_293 : i32
        %add3A_295 = arith.addi %mul3A_8, %mul3A_294 : i32
        %dma_start3A_296 = tpu.memref_slice %arg3[%add3A_295] : memref<320000xi32, #tpu.memory_space<hbm>> -> memref<40xi32, #tpu.memory_space<hbm>>
        %dma_start3A_297 = tpu.memref_slice %arg3[%add3A_295] : memref<320000xi32, #tpu.memory_space<hbm>> -> memref<40xi32, #tpu.memory_space<hbm>>
        tpu.enqueue_dma source(%dma_start3A_297 : memref<40xi32, #tpu.memory_space<hbm>>) target(%arg13 : memref<40xi32, #tpu.memory_space<vmem>>) target_semaphore(%arg27 : memref<!tpu.dma_semaphore, #tpu.memory_space<semaphore_mem>>)
        %mul3A_298 = arith.constant 40 : i32
        %mul3A_299 = arith.muli %add3A_292, %mul3A_298 : i32
        %dma_start3A_300 = tpu.memref_slice %arg6[%mul3A_299] : memref<10000xi32, #tpu.memory_space<vmem>> -> memref<40xi32, #tpu.memory_space<vmem>>
        %dma_start3A_301 = arith.constant 0 : i32
        %dma_start3A_302 = arith.constant 0 : i32
        %dma_start3A_303 = tpu.memref_slice %arg4[%dma_start3A_301, %dma_start3A_302] : memref<10000x128xf32, #tpu.memory_space<hbm>> -> memref<10000x128xf32, #tpu.memory_space<hbm>>
        tpu.enqueue_indirect_dma source(%dma_start3A_303 : memref<10000x128xf32, #tpu.memory_space<hbm>>) target(%arg20 : memref<40x128xf32, #tpu.memory_space<vmem>>) offsets(%dma_start3A_300 : memref<40xi32, #tpu.memory_space<vmem>>) semaphore(%arg34 : memref<!tpu.dma_semaphore, #tpu.memory_space<semaphore_mem>>)
      } else {
      }
      %mul3A_182 = arith.constant 7 : i32
      %mul3A_183 = arith.muli %scan3A_139, %mul3A_182 : i32
      %add3A_184 = arith.constant 2 : i32
      %add3A_185 = arith.addi %mul3A_183, %add3A_184 : i32
      %dma_wait3A_186 = arith.constant 0 : i32
      %dma_wait3A_187 = tpu.memref_slice %arg6[%dma_wait3A_186] : memref<10000xi32, #tpu.memory_space<vmem>> -> memref<40xi32, #tpu.memory_space<vmem>>
      %dma_wait3A_188 = arith.constant 0 : i32
      %dma_wait3A_189 = arith.constant 0 : i32
      %dma_wait3A_190 = tpu.memref_slice %arg4[%dma_wait3A_188, %dma_wait3A_189] : memref<10000x128xf32, #tpu.memory_space<hbm>> -> memref<10000x128xf32, #tpu.memory_space<hbm>>
      tpu.wait_indirect_dma semaphore(%arg30 : memref<!tpu.dma_semaphore, #tpu.memory_space<semaphore_mem>>) src(%dma_wait3A_190 : memref<10000x128xf32, #tpu.memory_space<hbm>>) dst(%arg16 : memref<40x128xf32, #tpu.memory_space<vmem>>)
      %dma_wait3A_191 = tpu.memref_slice %arg3[%mul3A_8] : memref<320000xi32, #tpu.memory_space<hbm>> -> memref<40xi32, #tpu.memory_space<hbm>>
      %dma_wait3A_192 = tpu.memref_slice %arg3[%mul3A_8] : memref<320000xi32, #tpu.memory_space<hbm>> -> memref<40xi32, #tpu.memory_space<hbm>>
      tpu.wait_dma2 semaphore(%arg23 : memref<!tpu.dma_semaphore, #tpu.memory_space<semaphore_mem>>) src(%dma_wait3A_192 : memref<40xi32, #tpu.memory_space<hbm>>) dst(%arg9 : memref<40xi32, #tpu.memory_space<vmem>>)
      %dma_start3A_193 = arith.constant 0 : i32
      %dma_start3A_194 = arith.constant 0 : i32
      %dma_start3A_195 = tpu.memref_slice %arg42[%dma_start3A_193, %dma_start3A_194] : memref<10000x128xf32, #tpu.memory_space<vmem_shared>> -> memref<10000x128xf32, #tpu.memory_space<vmem_shared>>
      tpu.enqueue_indirect_dma source(%arg16 : memref<40x128xf32, #tpu.memory_space<vmem>>) target(%dma_start3A_195 : memref<10000x128xf32, #tpu.memory_space<vmem_shared>>) offsets(%arg9 : memref<40xi32, #tpu.memory_space<vmem>>) semaphore(%arg37 : memref<!tpu.dma_semaphore, #tpu.memory_space<semaphore_mem>>) {add = true}
      %add3A_196 = arith.constant 5 : i32
      %add3A_197 = arith.addi %add3A_185, %add3A_196 : i32
      %lt3A_198 = arith.constant 250 : i32
      %lt3A_199 = arith.cmpi slt, %add3A_197, %lt3A_198 : i32
      %convert_element_type3A_200 = arith.extui %lt3A_199 : i1 to i32
      %cond3A_201 = arith.constant 0 : i32
      %cond3A_202 = arith.cmpi ne, %convert_element_type3A_200, %cond3A_201 : i32
      scf.if %cond3A_202 {
        %ge3A = arith.constant 2 : i32
        %ge3A_287 = arith.cmpi sge, %add3A_185, %ge3A : i32
        %convert_element_type3A_288 = arith.extui %ge3A_287 : i1 to i32
        %cond3A_289 = arith.constant 0 : i32
        %cond3A_290 = arith.cmpi ne, %convert_element_type3A_288, %cond3A_289 : i32
        scf.if %cond3A_290 {
          %dma_wait3A_304 = arith.constant 0 : i32
          %dma_wait3A_305 = arith.constant 0 : i32
          %dma_wait3A_306 = tpu.memref_slice %arg42[%dma_wait3A_304, %dma_wait3A_305] : memref<10000x128xf32, #tpu.memory_space<vmem_shared>> -> memref<10000x128xf32, #tpu.memory_space<vmem_shared>>
          tpu.wait_indirect_dma semaphore(%arg35 : memref<!tpu.dma_semaphore, #tpu.memory_space<semaphore_mem>>) src(%arg14 : memref<40x128xf32, #tpu.memory_space<vmem>>) dst(%dma_wait3A_306 : memref<10000x128xf32, #tpu.memory_space<vmem_shared>>)
        } else {
        }
        %add3A_291 = arith.constant 5 : i32
        %add3A_292 = arith.addi %add3A_185, %add3A_291 : i32
        %mul3A_293 = arith.constant 40 : i32
        %mul3A_294 = arith.muli %add3A_292, %mul3A_293 : i32
        %add3A_295 = arith.addi %mul3A_8, %mul3A_294 : i32
        %dma_start3A_296 = tpu.memref_slice %arg3[%add3A_295] : memref<320000xi32, #tpu.memory_space<hbm>> -> memref<40xi32, #tpu.memory_space<hbm>>
        %dma_start3A_297 = tpu.memref_slice %arg3[%add3A_295] : memref<320000xi32, #tpu.memory_space<hbm>> -> memref<40xi32, #tpu.memory_space<hbm>>
        tpu.enqueue_dma source(%dma_start3A_297 : memref<40xi32, #tpu.memory_space<hbm>>) target(%arg7 : memref<40xi32, #tpu.memory_space<vmem>>) target_semaphore(%arg21 : memref<!tpu.dma_semaphore, #tpu.memory_space<semaphore_mem>>)
        %mul3A_298 = arith.constant 40 : i32
        %mul3A_299 = arith.muli %add3A_292, %mul3A_298 : i32
        %dma_start3A_300 = tpu.memref_slice %arg6[%mul3A_299] : memref<10000xi32, #tpu.memory_space<vmem>> -> memref<40xi32, #tpu.memory_space<vmem>>
        %dma_start3A_301 = arith.constant 0 : i32
        %dma_start3A_302 = arith.constant 0 : i32
        %dma_start3A_303 = tpu.memref_slice %arg4[%dma_start3A_301, %dma_start3A_302] : memref<10000x128xf32, #tpu.memory_space<hbm>> -> memref<10000x128xf32, #tpu.memory_space<hbm>>
        tpu.enqueue_indirect_dma source(%dma_start3A_303 : memref<10000x128xf32, #tpu.memory_space<hbm>>) target(%arg14 : memref<40x128xf32, #tpu.memory_space<vmem>>) offsets(%dma_start3A_300 : memref<40xi32, #tpu.memory_space<vmem>>) semaphore(%arg28 : memref<!tpu.dma_semaphore, #tpu.memory_space<semaphore_mem>>)
      } else {
      }
      %mul3A_203 = arith.constant 7 : i32
      %mul3A_204 = arith.muli %scan3A_139, %mul3A_203 : i32
      %add3A_205 = arith.constant 3 : i32
      %add3A_206 = arith.addi %mul3A_204, %add3A_205 : i32
      %dma_wait3A_207 = arith.constant 0 : i32
      %dma_wait3A_208 = tpu.memref_slice %arg6[%dma_wait3A_207] : memref<10000xi32, #tpu.memory_space<vmem>> -> memref<40xi32, #tpu.memory_space<vmem>>
      %dma_wait3A_209 = arith.constant 0 : i32
      %dma_wait3A_210 = arith.constant 0 : i32
      %dma_wait3A_211 = tpu.memref_slice %arg4[%dma_wait3A_209, %dma_wait3A_210] : memref<10000x128xf32, #tpu.memory_space<hbm>> -> memref<10000x128xf32, #tpu.memory_space<hbm>>
      tpu.wait_indirect_dma semaphore(%arg31 : memref<!tpu.dma_semaphore, #tpu.memory_space<semaphore_mem>>) src(%dma_wait3A_211 : memref<10000x128xf32, #tpu.memory_space<hbm>>) dst(%arg17 : memref<40x128xf32, #tpu.memory_space<vmem>>)
      %dma_wait3A_212 = tpu.memref_slice %arg3[%mul3A_8] : memref<320000xi32, #tpu.memory_space<hbm>> -> memref<40xi32, #tpu.memory_space<hbm>>
      %dma_wait3A_213 = tpu.memref_slice %arg3[%mul3A_8] : memref<320000xi32, #tpu.memory_space<hbm>> -> memref<40xi32, #tpu.memory_space<hbm>>
      tpu.wait_dma2 semaphore(%arg24 : memref<!tpu.dma_semaphore, #tpu.memory_space<semaphore_mem>>) src(%dma_wait3A_213 : memref<40xi32, #tpu.memory_space<hbm>>) dst(%arg10 : memref<40xi32, #tpu.memory_space<vmem>>)
      %dma_start3A_214 = arith.constant 0 : i32
      %dma_start3A_215 = arith.constant 0 : i32
      %dma_start3A_216 = tpu.memref_slice %arg42[%dma_start3A_214, %dma_start3A_215] : memref<10000x128xf32, #tpu.memory_space<vmem_shared>> -> memref<10000x128xf32, #tpu.memory_space<vmem_shared>>
      tpu.enqueue_indirect_dma source(%arg17 : memref<40x128xf32, #tpu.memory_space<vmem>>) target(%dma_start3A_216 : memref<10000x128xf32, #tpu.memory_space<vmem_shared>>) offsets(%arg10 : memref<40xi32, #tpu.memory_space<vmem>>) semaphore(%arg38 : memref<!tpu.dma_semaphore, #tpu.memory_space<semaphore_mem>>) {add = true}
      %add3A_217 = arith.constant 5 : i32
      %add3A_218 = arith.addi %add3A_206, %add3A_217 : i32
      %lt3A_219 = arith.constant 250 : i32
      %lt3A_220 = arith.cmpi slt, %add3A_218, %lt3A_219 : i32
      %convert_element_type3A_221 = arith.extui %lt3A_220 : i1 to i32
      %cond3A_222 = arith.constant 0 : i32
      %cond3A_223 = arith.cmpi ne, %convert_element_type3A_221, %cond3A_222 : i32
      scf.if %cond3A_223 {
        %ge3A = arith.constant 2 : i32
        %ge3A_287 = arith.cmpi sge, %add3A_206, %ge3A : i32
        %convert_element_type3A_288 = arith.extui %ge3A_287 : i1 to i32
        %cond3A_289 = arith.constant 0 : i32
        %cond3A_290 = arith.cmpi ne, %convert_element_type3A_288, %cond3A_289 : i32
        scf.if %cond3A_290 {
          %dma_wait3A_304 = arith.constant 0 : i32
          %dma_wait3A_305 = arith.constant 0 : i32
          %dma_wait3A_306 = tpu.memref_slice %arg42[%dma_wait3A_304, %dma_wait3A_305] : memref<10000x128xf32, #tpu.memory_space<vmem_shared>> -> memref<10000x128xf32, #tpu.memory_space<vmem_shared>>
          tpu.wait_indirect_dma semaphore(%arg36 : memref<!tpu.dma_semaphore, #tpu.memory_space<semaphore_mem>>) src(%arg15 : memref<40x128xf32, #tpu.memory_space<vmem>>) dst(%dma_wait3A_306 : memref<10000x128xf32, #tpu.memory_space<vmem_shared>>)
        } else {
        }
        %add3A_291 = arith.constant 5 : i32
        %add3A_292 = arith.addi %add3A_206, %add3A_291 : i32
        %mul3A_293 = arith.constant 40 : i32
        %mul3A_294 = arith.muli %add3A_292, %mul3A_293 : i32
        %add3A_295 = arith.addi %mul3A_8, %mul3A_294 : i32
        %dma_start3A_296 = tpu.memref_slice %arg3[%add3A_295] : memref<320000xi32, #tpu.memory_space<hbm>> -> memref<40xi32, #tpu.memory_space<hbm>>
        %dma_start3A_297 = tpu.memref_slice %arg3[%add3A_295] : memref<320000xi32, #tpu.memory_space<hbm>> -> memref<40xi32, #tpu.memory_space<hbm>>
        tpu.enqueue_dma source(%dma_start3A_297 : memref<40xi32, #tpu.memory_space<hbm>>) target(%arg8 : memref<40xi32, #tpu.memory_space<vmem>>) target_semaphore(%arg22 : memref<!tpu.dma_semaphore, #tpu.memory_space<semaphore_mem>>)
        %mul3A_298 = arith.constant 40 : i32
        %mul3A_299 = arith.muli %add3A_292, %mul3A_298 : i32
        %dma_start3A_300 = tpu.memref_slice %arg6[%mul3A_299] : memref<10000xi32, #tpu.memory_space<vmem>> -> memref<40xi32, #tpu.memory_space<vmem>>
        %dma_start3A_301 = arith.constant 0 : i32
        %dma_start3A_302 = arith.constant 0 : i32
        %dma_start3A_303 = tpu.memref_slice %arg4[%dma_start3A_301, %dma_start3A_302] : memref<10000x128xf32, #tpu.memory_space<hbm>> -> memref<10000x128xf32, #tpu.memory_space<hbm>>
        tpu.enqueue_indirect_dma source(%dma_start3A_303 : memref<10000x128xf32, #tpu.memory_space<hbm>>) target(%arg15 : memref<40x128xf32, #tpu.memory_space<vmem>>) offsets(%dma_start3A_300 : memref<40xi32, #tpu.memory_space<vmem>>) semaphore(%arg29 : memref<!tpu.dma_semaphore, #tpu.memory_space<semaphore_mem>>)
      } else {
      }
      %mul3A_224 = arith.constant 7 : i32
      %mul3A_225 = arith.muli %scan3A_139, %mul3A_224 : i32
      %add3A_226 = arith.constant 4 : i32
      %add3A_227 = arith.addi %mul3A_225, %add3A_226 : i32
      %dma_wait3A_228 = arith.constant 0 : i32
      %dma_wait3A_229 = tpu.memref_slice %arg6[%dma_wait3A_228] : memref<10000xi32, #tpu.memory_space<vmem>> -> memref<40xi32, #tpu.memory_space<vmem>>
      %dma_wait3A_230 = arith.constant 0 : i32
      %dma_wait3A_231 = arith.constant 0 : i32
      %dma_wait3A_232 = tpu.memref_slice %arg4[%dma_wait3A_230, %dma_wait3A_231] : memref<10000x128xf32, #tpu.memory_space<hbm>> -> memref<10000x128xf32, #tpu.memory_space<hbm>>
      tpu.wait_indirect_dma semaphore(%arg32 : memref<!tpu.dma_semaphore, #tpu.memory_space<semaphore_mem>>) src(%dma_wait3A_232 : memref<10000x128xf32, #tpu.memory_space<hbm>>) dst(%arg18 : memref<40x128xf32, #tpu.memory_space<vmem>>)
      %dma_wait3A_233 = tpu.memref_slice %arg3[%mul3A_8] : memref<320000xi32, #tpu.memory_space<hbm>> -> memref<40xi32, #tpu.memory_space<hbm>>
      %dma_wait3A_234 = tpu.memref_slice %arg3[%mul3A_8] : memref<320000xi32, #tpu.memory_space<hbm>> -> memref<40xi32, #tpu.memory_space<hbm>>
      tpu.wait_dma2 semaphore(%arg25 : memref<!tpu.dma_semaphore, #tpu.memory_space<semaphore_mem>>) src(%dma_wait3A_234 : memref<40xi32, #tpu.memory_space<hbm>>) dst(%arg11 : memref<40xi32, #tpu.memory_space<vmem>>)
      %dma_start3A_235 = arith.constant 0 : i32
      %dma_start3A_236 = arith.constant 0 : i32
      %dma_start3A_237 = tpu.memref_slice %arg42[%dma_start3A_235, %dma_start3A_236] : memref<10000x128xf32, #tpu.memory_space<vmem_shared>> -> memref<10000x128xf32, #tpu.memory_space<vmem_shared>>
      tpu.enqueue_indirect_dma source(%arg18 : memref<40x128xf32, #tpu.memory_space<vmem>>) target(%dma_start3A_237 : memref<10000x128xf32, #tpu.memory_space<vmem_shared>>) offsets(%arg11 : memref<40xi32, #tpu.memory_space<vmem>>) semaphore(%arg39 : memref<!tpu.dma_semaphore, #tpu.memory_space<semaphore_mem>>) {add = true}
      %add3A_238 = arith.constant 5 : i32
      %add3A_239 = arith.addi %add3A_227, %add3A_238 : i32
      %lt3A_240 = arith.constant 250 : i32
      %lt3A_241 = arith.cmpi slt, %add3A_239, %lt3A_240 : i32
      %convert_element_type3A_242 = arith.extui %lt3A_241 : i1 to i32
      %cond3A_243 = arith.constant 0 : i32
      %cond3A_244 = arith.cmpi ne, %convert_element_type3A_242, %cond3A_243 : i32
      scf.if %cond3A_244 {
        %ge3A = arith.constant 2 : i32
        %ge3A_287 = arith.cmpi sge, %add3A_227, %ge3A : i32
        %convert_element_type3A_288 = arith.extui %ge3A_287 : i1 to i32
        %cond3A_289 = arith.constant 0 : i32
        %cond3A_290 = arith.cmpi ne, %convert_element_type3A_288, %cond3A_289 : i32
        scf.if %cond3A_290 {
          %dma_wait3A_304 = arith.constant 0 : i32
          %dma_wait3A_305 = arith.constant 0 : i32
          %dma_wait3A_306 = tpu.memref_slice %arg42[%dma_wait3A_304, %dma_wait3A_305] : memref<10000x128xf32, #tpu.memory_space<vmem_shared>> -> memref<10000x128xf32, #tpu.memory_space<vmem_shared>>
          tpu.wait_indirect_dma semaphore(%arg37 : memref<!tpu.dma_semaphore, #tpu.memory_space<semaphore_mem>>) src(%arg16 : memref<40x128xf32, #tpu.memory_space<vmem>>) dst(%dma_wait3A_306 : memref<10000x128xf32, #tpu.memory_space<vmem_shared>>)
        } else {
        }
        %add3A_291 = arith.constant 5 : i32
        %add3A_292 = arith.addi %add3A_227, %add3A_291 : i32
        %mul3A_293 = arith.constant 40 : i32
        %mul3A_294 = arith.muli %add3A_292, %mul3A_293 : i32
        %add3A_295 = arith.addi %mul3A_8, %mul3A_294 : i32
        %dma_start3A_296 = tpu.memref_slice %arg3[%add3A_295] : memref<320000xi32, #tpu.memory_space<hbm>> -> memref<40xi32, #tpu.memory_space<hbm>>
        %dma_start3A_297 = tpu.memref_slice %arg3[%add3A_295] : memref<320000xi32, #tpu.memory_space<hbm>> -> memref<40xi32, #tpu.memory_space<hbm>>
        tpu.enqueue_dma source(%dma_start3A_297 : memref<40xi32, #tpu.memory_space<hbm>>) target(%arg9 : memref<40xi32, #tpu.memory_space<vmem>>) target_semaphore(%arg23 : memref<!tpu.dma_semaphore, #tpu.memory_space<semaphore_mem>>)
        %mul3A_298 = arith.constant 40 : i32
        %mul3A_299 = arith.muli %add3A_292, %mul3A_298 : i32
        %dma_start3A_300 = tpu.memref_slice %arg6[%mul3A_299] : memref<10000xi32, #tpu.memory_space<vmem>> -> memref<40xi32, #tpu.memory_space<vmem>>
        %dma_start3A_301 = arith.constant 0 : i32
        %dma_start3A_302 = arith.constant 0 : i32
        %dma_start3A_303 = tpu.memref_slice %arg4[%dma_start3A_301, %dma_start3A_302] : memref<10000x128xf32, #tpu.memory_space<hbm>> -> memref<10000x128xf32, #tpu.memory_space<hbm>>
        tpu.enqueue_indirect_dma source(%dma_start3A_303 : memref<10000x128xf32, #tpu.memory_space<hbm>>) target(%arg16 : memref<40x128xf32, #tpu.memory_space<vmem>>) offsets(%dma_start3A_300 : memref<40xi32, #tpu.memory_space<vmem>>) semaphore(%arg30 : memref<!tpu.dma_semaphore, #tpu.memory_space<semaphore_mem>>)
      } else {
      }
      %mul3A_245 = arith.constant 7 : i32
      %mul3A_246 = arith.muli %scan3A_139, %mul3A_245 : i32
      %add3A_247 = arith.constant 5 : i32
      %add3A_248 = arith.addi %mul3A_246, %add3A_247 : i32
      %dma_wait3A_249 = arith.constant 0 : i32
      %dma_wait3A_250 = tpu.memref_slice %arg6[%dma_wait3A_249] : memref<10000xi32, #tpu.memory_space<vmem>> -> memref<40xi32, #tpu.memory_space<vmem>>
      %dma_wait3A_251 = arith.constant 0 : i32
      %dma_wait3A_252 = arith.constant 0 : i32
      %dma_wait3A_253 = tpu.memref_slice %arg4[%dma_wait3A_251, %dma_wait3A_252] : memref<10000x128xf32, #tpu.memory_space<hbm>> -> memref<10000x128xf32, #tpu.memory_space<hbm>>
      tpu.wait_indirect_dma semaphore(%arg33 : memref<!tpu.dma_semaphore, #tpu.memory_space<semaphore_mem>>) src(%dma_wait3A_253 : memref<10000x128xf32, #tpu.memory_space<hbm>>) dst(%arg19 : memref<40x128xf32, #tpu.memory_space<vmem>>)
      %dma_wait3A_254 = tpu.memref_slice %arg3[%mul3A_8] : memref<320000xi32, #tpu.memory_space<hbm>> -> memref<40xi32, #tpu.memory_space<hbm>>
      %dma_wait3A_255 = tpu.memref_slice %arg3[%mul3A_8] : memref<320000xi32, #tpu.memory_space<hbm>> -> memref<40xi32, #tpu.memory_space<hbm>>
      tpu.wait_dma2 semaphore(%arg26 : memref<!tpu.dma_semaphore, #tpu.memory_space<semaphore_mem>>) src(%dma_wait3A_255 : memref<40xi32, #tpu.memory_space<hbm>>) dst(%arg12 : memref<40xi32, #tpu.memory_space<vmem>>)
      %dma_start3A_256 = arith.constant 0 : i32
      %dma_start3A_257 = arith.constant 0 : i32
      %dma_start3A_258 = tpu.memref_slice %arg42[%dma_start3A_256, %dma_start3A_257] : memref<10000x128xf32, #tpu.memory_space<vmem_shared>> -> memref<10000x128xf32, #tpu.memory_space<vmem_shared>>
      tpu.enqueue_indirect_dma source(%arg19 : memref<40x128xf32, #tpu.memory_space<vmem>>) target(%dma_start3A_258 : memref<10000x128xf32, #tpu.memory_space<vmem_shared>>) offsets(%arg12 : memref<40xi32, #tpu.memory_space<vmem>>) semaphore(%arg40 : memref<!tpu.dma_semaphore, #tpu.memory_space<semaphore_mem>>) {add = true}
      %add3A_259 = arith.constant 5 : i32
      %add3A_260 = arith.addi %add3A_248, %add3A_259 : i32
      %lt3A_261 = arith.constant 250 : i32
      %lt3A_262 = arith.cmpi slt, %add3A_260, %lt3A_261 : i32
      %convert_element_type3A_263 = arith.extui %lt3A_262 : i1 to i32
      %cond3A_264 = arith.constant 0 : i32
      %cond3A_265 = arith.cmpi ne, %convert_element_type3A_263, %cond3A_264 : i32
      scf.if %cond3A_265 {
        %ge3A = arith.constant 2 : i32
        %ge3A_287 = arith.cmpi sge, %add3A_248, %ge3A : i32
        %convert_element_type3A_288 = arith.extui %ge3A_287 : i1 to i32
        %cond3A_289 = arith.constant 0 : i32
        %cond3A_290 = arith.cmpi ne, %convert_element_type3A_288, %cond3A_289 : i32
        scf.if %cond3A_290 {
          %dma_wait3A_304 = arith.constant 0 : i32
          %dma_wait3A_305 = arith.constant 0 : i32
          %dma_wait3A_306 = tpu.memref_slice %arg42[%dma_wait3A_304, %dma_wait3A_305] : memref<10000x128xf32, #tpu.memory_space<vmem_shared>> -> memref<10000x128xf32, #tpu.memory_space<vmem_shared>>
          tpu.wait_indirect_dma semaphore(%arg38 : memref<!tpu.dma_semaphore, #tpu.memory_space<semaphore_mem>>) src(%arg17 : memref<40x128xf32, #tpu.memory_space<vmem>>) dst(%dma_wait3A_306 : memref<10000x128xf32, #tpu.memory_space<vmem_shared>>)
        } else {
        }
        %add3A_291 = arith.constant 5 : i32
        %add3A_292 = arith.addi %add3A_248, %add3A_291 : i32
        %mul3A_293 = arith.constant 40 : i32
        %mul3A_294 = arith.muli %add3A_292, %mul3A_293 : i32
        %add3A_295 = arith.addi %mul3A_8, %mul3A_294 : i32
        %dma_start3A_296 = tpu.memref_slice %arg3[%add3A_295] : memref<320000xi32, #tpu.memory_space<hbm>> -> memref<40xi32, #tpu.memory_space<hbm>>
        %dma_start3A_297 = tpu.memref_slice %arg3[%add3A_295] : memref<320000xi32, #tpu.memory_space<hbm>> -> memref<40xi32, #tpu.memory_space<hbm>>
        tpu.enqueue_dma source(%dma_start3A_297 : memref<40xi32, #tpu.memory_space<hbm>>) target(%arg10 : memref<40xi32, #tpu.memory_space<vmem>>) target_semaphore(%arg24 : memref<!tpu.dma_semaphore, #tpu.memory_space<semaphore_mem>>)
        %mul3A_298 = arith.constant 40 : i32
        %mul3A_299 = arith.muli %add3A_292, %mul3A_298 : i32
        %dma_start3A_300 = tpu.memref_slice %arg6[%mul3A_299] : memref<10000xi32, #tpu.memory_space<vmem>> -> memref<40xi32, #tpu.memory_space<vmem>>
        %dma_start3A_301 = arith.constant 0 : i32
        %dma_start3A_302 = arith.constant 0 : i32
        %dma_start3A_303 = tpu.memref_slice %arg4[%dma_start3A_301, %dma_start3A_302] : memref<10000x128xf32, #tpu.memory_space<hbm>> -> memref<10000x128xf32, #tpu.memory_space<hbm>>
        tpu.enqueue_indirect_dma source(%dma_start3A_303 : memref<10000x128xf32, #tpu.memory_space<hbm>>) target(%arg17 : memref<40x128xf32, #tpu.memory_space<vmem>>) offsets(%dma_start3A_300 : memref<40xi32, #tpu.memory_space<vmem>>) semaphore(%arg31 : memref<!tpu.dma_semaphore, #tpu.memory_space<semaphore_mem>>)
      } else {
      }
      %mul3A_266 = arith.constant 7 : i32
      %mul3A_267 = arith.muli %scan3A_139, %mul3A_266 : i32
      %add3A_268 = arith.constant 6 : i32
      %add3A_269 = arith.addi %mul3A_267, %add3A_268 : i32
      %dma_wait3A_270 = arith.constant 0 : i32
      %dma_wait3A_271 = tpu.memref_slice %arg6[%dma_wait3A_270] : memref<10000xi32, #tpu.memory_space<vmem>> -> memref<40xi32, #tpu.memory_space<vmem>>
      %dma_wait3A_272 = arith.constant 0 : i32
      %dma_wait3A_273 = arith.constant 0 : i32
      %dma_wait3A_274 = tpu.memref_slice %arg4[%dma_wait3A_272, %dma_wait3A_273] : memref<10000x128xf32, #tpu.memory_space<hbm>> -> memref<10000x128xf32, #tpu.memory_space<hbm>>
      tpu.wait_indirect_dma semaphore(%arg34 : memref<!tpu.dma_semaphore, #tpu.memory_space<semaphore_mem>>) src(%dma_wait3A_274 : memref<10000x128xf32, #tpu.memory_space<hbm>>) dst(%arg20 : memref<40x128xf32, #tpu.memory_space<vmem>>)
      %dma_wait3A_275 = tpu.memref_slice %arg3[%mul3A_8] : memref<320000xi32, #tpu.memory_space<hbm>> -> memref<40xi32, #tpu.memory_space<hbm>>
      %dma_wait3A_276 = tpu.memref_slice %arg3[%mul3A_8] : memref<320000xi32, #tpu.memory_space<hbm>> -> memref<40xi32, #tpu.memory_space<hbm>>
      tpu.wait_dma2 semaphore(%arg27 : memref<!tpu.dma_semaphore, #tpu.memory_space<semaphore_mem>>) src(%dma_wait3A_276 : memref<40xi32, #tpu.memory_space<hbm>>) dst(%arg13 : memref<40xi32, #tpu.memory_space<vmem>>)
      %dma_start3A_277 = arith.constant 0 : i32
      %dma_start3A_278 = arith.constant 0 : i32
      %dma_start3A_279 = tpu.memref_slice %arg42[%dma_start3A_277, %dma_start3A_278] : memref<10000x128xf32, #tpu.memory_space<vmem_shared>> -> memref<10000x128xf32, #tpu.memory_space<vmem_shared>>
      tpu.enqueue_indirect_dma source(%arg20 : memref<40x128xf32, #tpu.memory_space<vmem>>) target(%dma_start3A_279 : memref<10000x128xf32, #tpu.memory_space<vmem_shared>>) offsets(%arg13 : memref<40xi32, #tpu.memory_space<vmem>>) semaphore(%arg41 : memref<!tpu.dma_semaphore, #tpu.memory_space<semaphore_mem>>) {add = true}
      %add3A_280 = arith.constant 5 : i32
      %add3A_281 = arith.addi %add3A_269, %add3A_280 : i32
      %lt3A_282 = arith.constant 250 : i32
      %lt3A_283 = arith.cmpi slt, %add3A_281, %lt3A_282 : i32
      %convert_element_type3A_284 = arith.extui %lt3A_283 : i1 to i32
      %cond3A_285 = arith.constant 0 : i32
      %cond3A_286 = arith.cmpi ne, %convert_element_type3A_284, %cond3A_285 : i32
      scf.if %cond3A_286 {
        %ge3A = arith.constant 2 : i32
        %ge3A_287 = arith.cmpi sge, %add3A_269, %ge3A : i32
        %convert_element_type3A_288 = arith.extui %ge3A_287 : i1 to i32
        %cond3A_289 = arith.constant 0 : i32
        %cond3A_290 = arith.cmpi ne, %convert_element_type3A_288, %cond3A_289 : i32
        scf.if %cond3A_290 {
          %dma_wait3A_304 = arith.constant 0 : i32
          %dma_wait3A_305 = arith.constant 0 : i32
          %dma_wait3A_306 = tpu.memref_slice %arg42[%dma_wait3A_304, %dma_wait3A_305] : memref<10000x128xf32, #tpu.memory_space<vmem_shared>> -> memref<10000x128xf32, #tpu.memory_space<vmem_shared>>
          tpu.wait_indirect_dma semaphore(%arg39 : memref<!tpu.dma_semaphore, #tpu.memory_space<semaphore_mem>>) src(%arg18 : memref<40x128xf32, #tpu.memory_space<vmem>>) dst(%dma_wait3A_306 : memref<10000x128xf32, #tpu.memory_space<vmem_shared>>)
        } else {
        }
        %add3A_291 = arith.constant 5 : i32
        %add3A_292 = arith.addi %add3A_269, %add3A_291 : i32
        %mul3A_293 = arith.constant 40 : i32
        %mul3A_294 = arith.muli %add3A_292, %mul3A_293 : i32
        %add3A_295 = arith.addi %mul3A_8, %mul3A_294 : i32
        %dma_start3A_296 = tpu.memref_slice %arg3[%add3A_295] : memref<320000xi32, #tpu.memory_space<hbm>> -> memref<40xi32, #tpu.memory_space<hbm>>
        %dma_start3A_297 = tpu.memref_slice %arg3[%add3A_295] : memref<320000xi32, #tpu.memory_space<hbm>> -> memref<40xi32, #tpu.memory_space<hbm>>
        tpu.enqueue_dma source(%dma_start3A_297 : memref<40xi32, #tpu.memory_space<hbm>>) target(%arg11 : memref<40xi32, #tpu.memory_space<vmem>>) target_semaphore(%arg25 : memref<!tpu.dma_semaphore, #tpu.memory_space<semaphore_mem>>)
        %mul3A_298 = arith.constant 40 : i32
        %mul3A_299 = arith.muli %add3A_292, %mul3A_298 : i32
        %dma_start3A_300 = tpu.memref_slice %arg6[%mul3A_299] : memref<10000xi32, #tpu.memory_space<vmem>> -> memref<40xi32, #tpu.memory_space<vmem>>
        %dma_start3A_301 = arith.constant 0 : i32
        %dma_start3A_302 = arith.constant 0 : i32
        %dma_start3A_303 = tpu.memref_slice %arg4[%dma_start3A_301, %dma_start3A_302] : memref<10000x128xf32, #tpu.memory_space<hbm>> -> memref<10000x128xf32, #tpu.memory_space<hbm>>
        tpu.enqueue_indirect_dma source(%dma_start3A_303 : memref<10000x128xf32, #tpu.memory_space<hbm>>) target(%arg18 : memref<40x128xf32, #tpu.memory_space<vmem>>) offsets(%dma_start3A_300 : memref<40xi32, #tpu.memory_space<vmem>>) semaphore(%arg32 : memref<!tpu.dma_semaphore, #tpu.memory_space<semaphore_mem>>)
      } else {
      }
    }
    %scan3A_57 = arith.constant 35 : i32
    %dma_wait3A = arith.constant 0 : i32
    %dma_wait3A_58 = tpu.memref_slice %arg6[%dma_wait3A] : memref<10000xi32, #tpu.memory_space<vmem>> -> memref<40xi32, #tpu.memory_space<vmem>>
    %dma_wait3A_59 = arith.constant 0 : i32
    %dma_wait3A_60 = arith.constant 0 : i32
    %dma_wait3A_61 = tpu.memref_slice %arg4[%dma_wait3A_59, %dma_wait3A_60] : memref<10000x128xf32, #tpu.memory_space<hbm>> -> memref<10000x128xf32, #tpu.memory_space<hbm>>
    tpu.wait_indirect_dma semaphore(%arg28 : memref<!tpu.dma_semaphore, #tpu.memory_space<semaphore_mem>>) src(%dma_wait3A_61 : memref<10000x128xf32, #tpu.memory_space<hbm>>) dst(%arg14 : memref<40x128xf32, #tpu.memory_space<vmem>>)
    %dma_wait3A_62 = tpu.memref_slice %arg3[%mul3A_8] : memref<320000xi32, #tpu.memory_space<hbm>> -> memref<40xi32, #tpu.memory_space<hbm>>
    %dma_wait3A_63 = tpu.memref_slice %arg3[%mul3A_8] : memref<320000xi32, #tpu.memory_space<hbm>> -> memref<40xi32, #tpu.memory_space<hbm>>
    tpu.wait_dma2 semaphore(%arg21 : memref<!tpu.dma_semaphore, #tpu.memory_space<semaphore_mem>>) src(%dma_wait3A_63 : memref<40xi32, #tpu.memory_space<hbm>>) dst(%arg7 : memref<40xi32, #tpu.memory_space<vmem>>)
    %dma_start3A_64 = arith.constant 0 : i32
    %dma_start3A_65 = arith.constant 0 : i32
    %dma_start3A_66 = tpu.memref_slice %arg42[%dma_start3A_64, %dma_start3A_65] : memref<10000x128xf32, #tpu.memory_space<vmem_shared>> -> memref<10000x128xf32, #tpu.memory_space<vmem_shared>>
    tpu.enqueue_indirect_dma source(%arg14 : memref<40x128xf32, #tpu.memory_space<vmem>>) target(%dma_start3A_66 : memref<10000x128xf32, #tpu.memory_space<vmem_shared>>) offsets(%arg7 : memref<40xi32, #tpu.memory_space<vmem>>) semaphore(%arg35 : memref<!tpu.dma_semaphore, #tpu.memory_space<semaphore_mem>>) {add = true}
    %dma_wait3A_67 = arith.constant 0 : i32
    %dma_wait3A_68 = tpu.memref_slice %arg6[%dma_wait3A_67] : memref<10000xi32, #tpu.memory_space<vmem>> -> memref<40xi32, #tpu.memory_space<vmem>>
    %dma_wait3A_69 = arith.constant 0 : i32
    %dma_wait3A_70 = arith.constant 0 : i32
    %dma_wait3A_71 = tpu.memref_slice %arg4[%dma_wait3A_69, %dma_wait3A_70] : memref<10000x128xf32, #tpu.memory_space<hbm>> -> memref<10000x128xf32, #tpu.memory_space<hbm>>
    tpu.wait_indirect_dma semaphore(%arg29 : memref<!tpu.dma_semaphore, #tpu.memory_space<semaphore_mem>>) src(%dma_wait3A_71 : memref<10000x128xf32, #tpu.memory_space<hbm>>) dst(%arg15 : memref<40x128xf32, #tpu.memory_space<vmem>>)
    %dma_wait3A_72 = tpu.memref_slice %arg3[%mul3A_8] : memref<320000xi32, #tpu.memory_space<hbm>> -> memref<40xi32, #tpu.memory_space<hbm>>
    %dma_wait3A_73 = tpu.memref_slice %arg3[%mul3A_8] : memref<320000xi32, #tpu.memory_space<hbm>> -> memref<40xi32, #tpu.memory_space<hbm>>
    tpu.wait_dma2 semaphore(%arg22 : memref<!tpu.dma_semaphore, #tpu.memory_space<semaphore_mem>>) src(%dma_wait3A_73 : memref<40xi32, #tpu.memory_space<hbm>>) dst(%arg8 : memref<40xi32, #tpu.memory_space<vmem>>)
    %dma_start3A_74 = arith.constant 0 : i32
    %dma_start3A_75 = arith.constant 0 : i32
    %dma_start3A_76 = tpu.memref_slice %arg42[%dma_start3A_74, %dma_start3A_75] : memref<10000x128xf32, #tpu.memory_space<vmem_shared>> -> memref<10000x128xf32, #tpu.memory_space<vmem_shared>>
    tpu.enqueue_indirect_dma source(%arg15 : memref<40x128xf32, #tpu.memory_space<vmem>>) target(%dma_start3A_76 : memref<10000x128xf32, #tpu.memory_space<vmem_shared>>) offsets(%arg8 : memref<40xi32, #tpu.memory_space<vmem>>) semaphore(%arg36 : memref<!tpu.dma_semaphore, #tpu.memory_space<semaphore_mem>>) {add = true}
    %dma_wait3A_77 = arith.constant 0 : i32
    %dma_wait3A_78 = tpu.memref_slice %arg6[%dma_wait3A_77] : memref<10000xi32, #tpu.memory_space<vmem>> -> memref<40xi32, #tpu.memory_space<vmem>>
    %dma_wait3A_79 = arith.constant 0 : i32
    %dma_wait3A_80 = arith.constant 0 : i32
    %dma_wait3A_81 = tpu.memref_slice %arg4[%dma_wait3A_79, %dma_wait3A_80] : memref<10000x128xf32, #tpu.memory_space<hbm>> -> memref<10000x128xf32, #tpu.memory_space<hbm>>
    tpu.wait_indirect_dma semaphore(%arg30 : memref<!tpu.dma_semaphore, #tpu.memory_space<semaphore_mem>>) src(%dma_wait3A_81 : memref<10000x128xf32, #tpu.memory_space<hbm>>) dst(%arg16 : memref<40x128xf32, #tpu.memory_space<vmem>>)
    %dma_wait3A_82 = tpu.memref_slice %arg3[%mul3A_8] : memref<320000xi32, #tpu.memory_space<hbm>> -> memref<40xi32, #tpu.memory_space<hbm>>
    %dma_wait3A_83 = tpu.memref_slice %arg3[%mul3A_8] : memref<320000xi32, #tpu.memory_space<hbm>> -> memref<40xi32, #tpu.memory_space<hbm>>
    tpu.wait_dma2 semaphore(%arg23 : memref<!tpu.dma_semaphore, #tpu.memory_space<semaphore_mem>>) src(%dma_wait3A_83 : memref<40xi32, #tpu.memory_space<hbm>>) dst(%arg9 : memref<40xi32, #tpu.memory_space<vmem>>)
    %dma_start3A_84 = arith.constant 0 : i32
    %dma_start3A_85 = arith.constant 0 : i32
    %dma_start3A_86 = tpu.memref_slice %arg42[%dma_start3A_84, %dma_start3A_85] : memref<10000x128xf32, #tpu.memory_space<vmem_shared>> -> memref<10000x128xf32, #tpu.memory_space<vmem_shared>>
    tpu.enqueue_indirect_dma source(%arg16 : memref<40x128xf32, #tpu.memory_space<vmem>>) target(%dma_start3A_86 : memref<10000x128xf32, #tpu.memory_space<vmem_shared>>) offsets(%arg9 : memref<40xi32, #tpu.memory_space<vmem>>) semaphore(%arg37 : memref<!tpu.dma_semaphore, #tpu.memory_space<semaphore_mem>>) {add = true}
    %dma_wait3A_87 = arith.constant 0 : i32
    %dma_wait3A_88 = tpu.memref_slice %arg6[%dma_wait3A_87] : memref<10000xi32, #tpu.memory_space<vmem>> -> memref<40xi32, #tpu.memory_space<vmem>>
    %dma_wait3A_89 = arith.constant 0 : i32
    %dma_wait3A_90 = arith.constant 0 : i32
    %dma_wait3A_91 = tpu.memref_slice %arg4[%dma_wait3A_89, %dma_wait3A_90] : memref<10000x128xf32, #tpu.memory_space<hbm>> -> memref<10000x128xf32, #tpu.memory_space<hbm>>
    tpu.wait_indirect_dma semaphore(%arg31 : memref<!tpu.dma_semaphore, #tpu.memory_space<semaphore_mem>>) src(%dma_wait3A_91 : memref<10000x128xf32, #tpu.memory_space<hbm>>) dst(%arg17 : memref<40x128xf32, #tpu.memory_space<vmem>>)
    %dma_wait3A_92 = tpu.memref_slice %arg3[%mul3A_8] : memref<320000xi32, #tpu.memory_space<hbm>> -> memref<40xi32, #tpu.memory_space<hbm>>
    %dma_wait3A_93 = tpu.memref_slice %arg3[%mul3A_8] : memref<320000xi32, #tpu.memory_space<hbm>> -> memref<40xi32, #tpu.memory_space<hbm>>
    tpu.wait_dma2 semaphore(%arg24 : memref<!tpu.dma_semaphore, #tpu.memory_space<semaphore_mem>>) src(%dma_wait3A_93 : memref<40xi32, #tpu.memory_space<hbm>>) dst(%arg10 : memref<40xi32, #tpu.memory_space<vmem>>)
    %dma_start3A_94 = arith.constant 0 : i32
    %dma_start3A_95 = arith.constant 0 : i32
    %dma_start3A_96 = tpu.memref_slice %arg42[%dma_start3A_94, %dma_start3A_95] : memref<10000x128xf32, #tpu.memory_space<vmem_shared>> -> memref<10000x128xf32, #tpu.memory_space<vmem_shared>>
    tpu.enqueue_indirect_dma source(%arg17 : memref<40x128xf32, #tpu.memory_space<vmem>>) target(%dma_start3A_96 : memref<10000x128xf32, #tpu.memory_space<vmem_shared>>) offsets(%arg10 : memref<40xi32, #tpu.memory_space<vmem>>) semaphore(%arg38 : memref<!tpu.dma_semaphore, #tpu.memory_space<semaphore_mem>>) {add = true}
    %dma_wait3A_97 = arith.constant 0 : i32
    %dma_wait3A_98 = tpu.memref_slice %arg6[%dma_wait3A_97] : memref<10000xi32, #tpu.memory_space<vmem>> -> memref<40xi32, #tpu.memory_space<vmem>>
    %dma_wait3A_99 = arith.constant 0 : i32
    %dma_wait3A_100 = arith.constant 0 : i32
    %dma_wait3A_101 = tpu.memref_slice %arg4[%dma_wait3A_99, %dma_wait3A_100] : memref<10000x128xf32, #tpu.memory_space<hbm>> -> memref<10000x128xf32, #tpu.memory_space<hbm>>
    tpu.wait_indirect_dma semaphore(%arg32 : memref<!tpu.dma_semaphore, #tpu.memory_space<semaphore_mem>>) src(%dma_wait3A_101 : memref<10000x128xf32, #tpu.memory_space<hbm>>) dst(%arg18 : memref<40x128xf32, #tpu.memory_space<vmem>>)
    %dma_wait3A_102 = tpu.memref_slice %arg3[%mul3A_8] : memref<320000xi32, #tpu.memory_space<hbm>> -> memref<40xi32, #tpu.memory_space<hbm>>
    %dma_wait3A_103 = tpu.memref_slice %arg3[%mul3A_8] : memref<320000xi32, #tpu.memory_space<hbm>> -> memref<40xi32, #tpu.memory_space<hbm>>
    tpu.wait_dma2 semaphore(%arg25 : memref<!tpu.dma_semaphore, #tpu.memory_space<semaphore_mem>>) src(%dma_wait3A_103 : memref<40xi32, #tpu.memory_space<hbm>>) dst(%arg11 : memref<40xi32, #tpu.memory_space<vmem>>)
    %dma_start3A_104 = arith.constant 0 : i32
    %dma_start3A_105 = arith.constant 0 : i32
    %dma_start3A_106 = tpu.memref_slice %arg42[%dma_start3A_104, %dma_start3A_105] : memref<10000x128xf32, #tpu.memory_space<vmem_shared>> -> memref<10000x128xf32, #tpu.memory_space<vmem_shared>>
    tpu.enqueue_indirect_dma source(%arg18 : memref<40x128xf32, #tpu.memory_space<vmem>>) target(%dma_start3A_106 : memref<10000x128xf32, #tpu.memory_space<vmem_shared>>) offsets(%arg11 : memref<40xi32, #tpu.memory_space<vmem>>) semaphore(%arg39 : memref<!tpu.dma_semaphore, #tpu.memory_space<semaphore_mem>>) {add = true}
    %dma_wait3A_107 = arith.constant 0 : i32
    %dma_wait3A_108 = arith.constant 0 : i32
    %dma_wait3A_109 = tpu.memref_slice %arg42[%dma_wait3A_107, %dma_wait3A_108] : memref<10000x128xf32, #tpu.memory_space<vmem_shared>> -> memref<10000x128xf32, #tpu.memory_space<vmem_shared>>
    tpu.wait_indirect_dma semaphore(%arg35 : memref<!tpu.dma_semaphore, #tpu.memory_space<semaphore_mem>>) src(%arg14 : memref<40x128xf32, #tpu.memory_space<vmem>>) dst(%dma_wait3A_109 : memref<10000x128xf32, #tpu.memory_space<vmem_shared>>)
    %dma_wait3A_110 = arith.constant 0 : i32
    %dma_wait3A_111 = arith.constant 0 : i32
    %dma_wait3A_112 = tpu.memref_slice %arg42[%dma_wait3A_110, %dma_wait3A_111] : memref<10000x128xf32, #tpu.memory_space<vmem_shared>> -> memref<10000x128xf32, #tpu.memory_space<vmem_shared>>
    tpu.wait_indirect_dma semaphore(%arg36 : memref<!tpu.dma_semaphore, #tpu.memory_space<semaphore_mem>>) src(%arg15 : memref<40x128xf32, #tpu.memory_space<vmem>>) dst(%dma_wait3A_112 : memref<10000x128xf32, #tpu.memory_space<vmem_shared>>)
    %dma_wait3A_113 = arith.constant 0 : i32
    %dma_wait3A_114 = arith.constant 0 : i32
    %dma_wait3A_115 = tpu.memref_slice %arg42[%dma_wait3A_113, %dma_wait3A_114] : memref<10000x128xf32, #tpu.memory_space<vmem_shared>> -> memref<10000x128xf32, #tpu.memory_space<vmem_shared>>
    tpu.wait_indirect_dma semaphore(%arg37 : memref<!tpu.dma_semaphore, #tpu.memory_space<semaphore_mem>>) src(%arg16 : memref<40x128xf32, #tpu.memory_space<vmem>>) dst(%dma_wait3A_115 : memref<10000x128xf32, #tpu.memory_space<vmem_shared>>)
    %dma_wait3A_116 = arith.constant 0 : i32
    %dma_wait3A_117 = arith.constant 0 : i32
    %dma_wait3A_118 = tpu.memref_slice %arg42[%dma_wait3A_116, %dma_wait3A_117] : memref<10000x128xf32, #tpu.memory_space<vmem_shared>> -> memref<10000x128xf32, #tpu.memory_space<vmem_shared>>
    tpu.wait_indirect_dma semaphore(%arg38 : memref<!tpu.dma_semaphore, #tpu.memory_space<semaphore_mem>>) src(%arg17 : memref<40x128xf32, #tpu.memory_space<vmem>>) dst(%dma_wait3A_118 : memref<10000x128xf32, #tpu.memory_space<vmem_shared>>)
    %dma_wait3A_119 = arith.constant 0 : i32
    %dma_wait3A_120 = arith.constant 0 : i32
    %dma_wait3A_121 = tpu.memref_slice %arg42[%dma_wait3A_119, %dma_wait3A_120] : memref<10000x128xf32, #tpu.memory_space<vmem_shared>> -> memref<10000x128xf32, #tpu.memory_space<vmem_shared>>
    tpu.wait_indirect_dma semaphore(%arg39 : memref<!tpu.dma_semaphore, #tpu.memory_space<semaphore_mem>>) src(%arg18 : memref<40x128xf32, #tpu.memory_space<vmem>>) dst(%dma_wait3A_121 : memref<10000x128xf32, #tpu.memory_space<vmem_shared>>)
    %dma_wait3A_122 = arith.constant 0 : i32
    %dma_wait3A_123 = arith.constant 0 : i32
    %dma_wait3A_124 = tpu.memref_slice %arg42[%dma_wait3A_122, %dma_wait3A_123] : memref<10000x128xf32, #tpu.memory_space<vmem_shared>> -> memref<10000x128xf32, #tpu.memory_space<vmem_shared>>
    tpu.wait_indirect_dma semaphore(%arg40 : memref<!tpu.dma_semaphore, #tpu.memory_space<semaphore_mem>>) src(%arg19 : memref<40x128xf32, #tpu.memory_space<vmem>>) dst(%dma_wait3A_124 : memref<10000x128xf32, #tpu.memory_space<vmem_shared>>)
    %dma_wait3A_125 = arith.constant 0 : i32
    %dma_wait3A_126 = arith.constant 0 : i32
    %dma_wait3A_127 = tpu.memref_slice %arg42[%dma_wait3A_125, %dma_wait3A_126] : memref<10000x128xf32, #tpu.memory_space<vmem_shared>> -> memref<10000x128xf32, #tpu.memory_space<vmem_shared>>
    tpu.wait_indirect_dma semaphore(%arg41 : memref<!tpu.dma_semaphore, #tpu.memory_space<semaphore_mem>>) src(%arg20 : memref<40x128xf32, #tpu.memory_space<vmem>>) dst(%dma_wait3A_127 : memref<10000x128xf32, #tpu.memory_space<vmem_shared>>)
    %barrier3A_128 = arith.constant 0 : index
    tpu.barrier barrier_id(%barrier3A_128)
    %lt3A_129 = arith.constant 15 : i32
    %lt3A_130 = arith.cmpi slt, %arg1, %lt3A_129 : i32
    %convert_element_type3A_131 = arith.extui %lt3A_130 : i1 to i32
    %cond3A_132 = arith.constant 0 : i32
    %cond3A_133 = arith.cmpi ne, %convert_element_type3A_131, %cond3A_132 : i32
    scf.if %cond3A_133 {
      %mul3A_139 = arith.constant 624 : i32
      %mul3A_140 = arith.muli %arg1, %mul3A_139 : i32
      "tpu.region"() ({
        %run_scoped3A = tpu.sem_alloc : memref<!tpu.dma_semaphore, #tpu.memory_space<semaphore_mem>>
        %dma_start3A_141 = arith.constant 0 : i32
        %dma_start3A_142 = arith.constant 0 : i32
        %dma_start3A_143 = tpu.memref_slice %arg5[%arg0, %dma_start3A_141, %dma_start3A_142] : memref<2x10000x128xf32, #tpu.memory_space<hbm>> -> memref<1x10000x128xf32, #tpu.memory_space<hbm>>
        %dma_start3A_144 = tpu.memref_squeeze %dma_start3A_143 : memref<1x10000x128xf32, #tpu.memory_space<hbm>> -> memref<10000x128xf32, #tpu.memory_space<hbm>>
        %dma_start3A_145 = arith.constant 0 : i32
        %dma_start3A_146 = tpu.memref_slice %dma_start3A_144[%mul3A_140, %dma_start3A_145] : memref<10000x128xf32, #tpu.memory_space<hbm>> -> memref<624x128xf32, #tpu.memory_space<hbm>>
        %dma_start3A_147 = arith.constant 0 : i32
        %dma_start3A_148 = tpu.memref_slice %arg42[%mul3A_140, %dma_start3A_147] : memref<10000x128xf32, #tpu.memory_space<vmem_shared>> -> memref<624x128xf32, #tpu.memory_space<vmem_shared>>
        tpu.enqueue_dma source(%dma_start3A_148 : memref<624x128xf32, #tpu.memory_space<vmem_shared>>) target(%dma_start3A_146 : memref<624x128xf32, #tpu.memory_space<hbm>>) target_semaphore(%run_scoped3A : memref<!tpu.dma_semaphore, #tpu.memory_space<semaphore_mem>>)
        %dma_wait3A_149 = arith.constant 0 : i32
        %dma_wait3A_150 = arith.constant 0 : i32
        %dma_wait3A_151 = tpu.memref_slice %arg5[%arg0, %dma_wait3A_149, %dma_wait3A_150] : memref<2x10000x128xf32, #tpu.memory_space<hbm>> -> memref<1x10000x128xf32, #tpu.memory_space<hbm>>
        %dma_wait3A_152 = tpu.memref_squeeze %dma_wait3A_151 : memref<1x10000x128xf32, #tpu.memory_space<hbm>> -> memref<10000x128xf32, #tpu.memory_space<hbm>>
        %dma_wait3A_153 = arith.constant 0 : i32
        %dma_wait3A_154 = tpu.memref_slice %dma_wait3A_152[%mul3A_140, %dma_wait3A_153] : memref<10000x128xf32, #tpu.memory_space<hbm>> -> memref<624x128xf32, #tpu.memory_space<hbm>>
        %dma_wait3A_155 = arith.constant 0 : i32
        %dma_wait3A_156 = tpu.memref_slice %arg42[%mul3A_140, %dma_wait3A_155] : memref<10000x128xf32, #tpu.memory_space<vmem_shared>> -> memref<624x128xf32, #tpu.memory_space<vmem_shared>>
        tpu.wait_dma2 semaphore(%run_scoped3A : memref<!tpu.dma_semaphore, #tpu.memory_space<semaphore_mem>>) src(%dma_wait3A_156 : memref<624x128xf32, #tpu.memory_space<vmem_shared>>) dst(%dma_wait3A_154 : memref<624x128xf32, #tpu.memory_space<hbm>>)
        tpu.yield
      }) : () -> ()
    } else {
    }
    %eq3A_134 = arith.constant 15 : i32
    %eq3A_135 = arith.cmpi eq, %arg1, %eq3A_134 : i32
    %convert_element_type3A_136 = arith.extui %eq3A_135 : i1 to i32
    %cond3A_137 = arith.constant 0 : i32
    %cond3A_138 = arith.cmpi ne, %convert_element_type3A_136, %cond3A_137 : i32
    scf.if %cond3A_138 {
      "tpu.region"() ({
        %run_scoped3A = tpu.sem_alloc : memref<!tpu.dma_semaphore, #tpu.memory_space<semaphore_mem>>
        %dma_start3A_139 = arith.constant 0 : i32
        %dma_start3A_140 = arith.constant 0 : i32
        %dma_start3A_141 = tpu.memref_slice %arg5[%arg0, %dma_start3A_139, %dma_start3A_140] : memref<2x10000x128xf32, #tpu.memory_space<hbm>> -> memref<1x10000x128xf32, #tpu.memory_space<hbm>>
        %dma_start3A_142 = tpu.memref_squeeze %dma_start3A_141 : memref<1x10000x128xf32, #tpu.memory_space<hbm>> -> memref<10000x128xf32, #tpu.memory_space<hbm>>
        %dma_start3A_143 = arith.constant 9360 : i32
        %dma_start3A_144 = arith.constant 0 : i32
        %dma_start3A_145 = tpu.memref_slice %dma_start3A_142[%dma_start3A_143, %dma_start3A_144] : memref<10000x128xf32, #tpu.memory_space<hbm>> -> memref<640x128xf32, #tpu.memory_space<hbm>>
        %dma_start3A_146 = arith.constant 9360 : i32
        %dma_start3A_147 = arith.constant 0 : i32
        %dma_start3A_148 = tpu.memref_slice %arg42[%dma_start3A_146, %dma_start3A_147] : memref<10000x128xf32, #tpu.memory_space<vmem_shared>> -> memref<640x128xf32, #tpu.memory_space<vmem_shared>>
        tpu.enqueue_dma source(%dma_start3A_148 : memref<640x128xf32, #tpu.memory_space<vmem_shared>>) target(%dma_start3A_145 : memref<640x128xf32, #tpu.memory_space<hbm>>) target_semaphore(%run_scoped3A : memref<!tpu.dma_semaphore, #tpu.memory_space<semaphore_mem>>)
        %dma_wait3A_149 = arith.constant 0 : i32
        %dma_wait3A_150 = arith.constant 0 : i32
        %dma_wait3A_151 = tpu.memref_slice %arg5[%arg0, %dma_wait3A_149, %dma_wait3A_150] : memref<2x10000x128xf32, #tpu.memory_space<hbm>> -> memref<1x10000x128xf32, #tpu.memory_space<hbm>>
        %dma_wait3A_152 = tpu.memref_squeeze %dma_wait3A_151 : memref<1x10000x128xf32, #tpu.memory_space<hbm>> -> memref<10000x128xf32, #tpu.memory_space<hbm>>
        %dma_wait3A_153 = arith.constant 9360 : i32
        %dma_wait3A_154 = arith.constant 0 : i32
        %dma_wait3A_155 = tpu.memref_slice %dma_wait3A_152[%dma_wait3A_153, %dma_wait3A_154] : memref<10000x128xf32, #tpu.memory_space<hbm>> -> memref<640x128xf32, #tpu.memory_space<hbm>>
        %dma_wait3A_156 = arith.constant 9360 : i32
        %dma_wait3A_157 = arith.constant 0 : i32
        %dma_wait3A_158 = tpu.memref_slice %arg42[%dma_wait3A_156, %dma_wait3A_157] : memref<10000x128xf32, #tpu.memory_space<vmem_shared>> -> memref<640x128xf32, #tpu.memory_space<vmem_shared>>
        tpu.wait_dma2 semaphore(%run_scoped3A : memref<!tpu.dma_semaphore, #tpu.memory_space<semaphore_mem>>) src(%dma_wait3A_158 : memref<640x128xf32, #tpu.memory_space<vmem_shared>>) dst(%dma_wait3A_155 : memref<640x128xf32, #tpu.memory_space<hbm>>)
        tpu.yield
      }) : () -> ()
    } else {
    }
    return
  }
}

module attributes {stable_mosaic.version = 14 : i64} {
  func.func @_prep_body(%arg0: i32, %arg1: memref<5000x128xf32, #tpu.memory_space<vmem>>, %arg2: memref<128x128xf32, #tpu.memory_space<vmem>>, %arg3: memref<1x1x5000xf32, #tpu.memory_space<vmem>>, %arg4: memref<1x1x5000xf32, #tpu.memory_space<vmem>>, %arg5: memref<5000x128xf32, #tpu.memory_space<vmem>>, %arg6: memref<1x1x5000xf32, #tpu.memory_space<vmem>>) attributes {dimension_semantics = [#tpu.dimension_semantics<arbitrary>], iteration_bounds = array<i64: 2>, scalar_prefetch = 0 : i64, scratch_operands = 0 : i64, tpu.core_type = #tpu.core_type<tc>, window_params = [{transform_indices = @transform_0, window_bounds = array<i64: 5000, 128>}, {pipeline_mode = #tpu.pipeline_mode<synchronous>, transform_indices = @transform_1, window_bounds = array<i64: 128, 128>}, {transform_indices = @transform_2, window_bounds = array<i64: 1, 1, 5000>}, {transform_indices = @transform_3, window_bounds = array<i64: 1, 1, 5000>}, {transform_indices = @transform_4, window_bounds = array<i64: 5000, 128>}, {transform_indices = @transform_5, window_bounds = array<i64: 1, 1, 5000>}]} {
    %get3A = arith.constant 0 : index
    %get3A_0 = arith.constant 0 : index
    %get3A_1 = arith.constant 0 : index
    %get3A_2 = vector.load %arg3[%get3A, %get3A_0, %get3A_1] : memref<1x1x5000xf32, #tpu.memory_space<vmem>>, vector<1x1x5000xf32>
    %get3A_3 = vector.shape_cast %get3A_2 : vector<1x1x5000xf32> to vector<1x5000xf32>
    %get3A_4 = arith.constant 0 : index
    %get3A_5 = arith.constant 0 : index
    %get3A_6 = arith.constant 0 : index
    %get3A_7 = vector.load %arg4[%get3A_4, %get3A_5, %get3A_6] : memref<1x1x5000xf32, #tpu.memory_space<vmem>>, vector<1x1x5000xf32>
    %get3A_8 = vector.shape_cast %get3A_7 : vector<1x1x5000xf32> to vector<1x5000xf32>
    %add3A = arith.addf %get3A_3, %get3A_8 : vector<1x5000xf32>
    %add3A_9 = arith.constant 1.000000e+00 : f32
    %add3A_10 = vector.broadcast %add3A_9 : f32 to vector<1x5000xf32>
    %add3A_11 = arith.addf %add3A, %add3A_10 : vector<1x5000xf32>
    %max3A = arith.constant 9.99999996E-13 : f32
    %max3A_12 = vector.broadcast %max3A : f32 to vector<1x5000xf32>
    %max3A_13 = arith.maximumf %add3A_11, %max3A_12 : vector<1x5000xf32>
    %rsqrt3A = math.rsqrt %max3A_13 : vector<1x5000xf32>
    %get3A_14 = arith.constant 0 : index
    %get3A_15 = arith.constant 0 : index
    %get3A_16 = vector.load %arg1[%get3A_14, %get3A_15] : memref<5000x128xf32, #tpu.memory_space<vmem>>, vector<5000x128xf32>
    %get3A_17 = arith.constant 0 : index
    %get3A_18 = arith.constant 0 : index
    %get3A_19 = vector.load %arg2[%get3A_17, %get3A_18] : memref<128x128xf32, #tpu.memory_space<vmem>>, vector<128x128xf32>
    %dot_general3A = arith.constant dense<0.000000e+00> : vector<5000x128xf32>
    %dot_general3A_20 = tpu.matmul %get3A_16, %get3A_19, %dot_general3A {dimension_numbers = #tpu.dot_dimension_numbers<[1], [0], [0], [1], [0, 0, 1, 1], [], []>, transpose_lhs_hint = false} : vector<5000x128xf32>, vector<128x128xf32>, vector<5000x128xf32> -> vector<5000x128xf32>
    %transpose3A = tpu.transpose %rsqrt3A, [1, 0] : vector<1x5000xf32> -> vector<5000x1xf32>
    %mul3A = vector.broadcast %transpose3A : vector<5000x1xf32> to vector<5000x128xf32>
    %mul3A_21 = arith.mulf %dot_general3A_20, %mul3A : vector<5000x128xf32>
    %swap3A = arith.constant 0 : index
    %swap3A_22 = arith.constant 0 : index
    %swap3A_23 = vector.load %arg5[%swap3A, %swap3A_22] : memref<5000x128xf32, #tpu.memory_space<vmem>>, vector<5000x128xf32>
    tpu.vector_store %arg5[%swap3A, %swap3A_22], %mul3A_21 {strides = array<i32>} : memref<5000x128xf32, #tpu.memory_space<vmem>>, vector<5000x128xf32>,
    %swap3A_24 = arith.constant 0 : index
    %swap3A_25 = arith.constant 0 : index
    %swap3A_26 = arith.constant 0 : index
    %swap3A_27 = vector.load %arg6[%swap3A_24, %swap3A_25, %swap3A_26] : memref<1x1x5000xf32, #tpu.memory_space<vmem>>, vector<1x1x5000xf32>
    %swap3A_28 = vector.shape_cast %swap3A_27 : vector<1x1x5000xf32> to vector<1x5000xf32>
    %swap3A_29 = vector.shape_cast %rsqrt3A : vector<1x5000xf32> to vector<1x1x5000xf32>
    tpu.vector_store %arg6[%swap3A_24, %swap3A_25, %swap3A_26], %swap3A_29 {strides = array<i32>} : memref<1x1x5000xf32, #tpu.memory_space<vmem>>, vector<1x1x5000xf32>,
    return
  }
  func.func @transform_0(%arg0: i32) -> (i32, i32) {
    %c0_i32 = arith.constant 0 : i32
    %c0_i32_0 = arith.constant 0 : i32
    return %arg0, %c0_i32 : i32, i32
  }
  func.func @transform_1(%arg0: i32) -> (i32, i32) {
    %c0_i32 = arith.constant 0 : i32
    %c0_i32_0 = arith.constant 0 : i32
    %c0_i32_1 = arith.constant 0 : i32
    return %c0_i32, %c0_i32_0 : i32, i32
  }
  func.func @transform_2(%arg0: i32) -> (i32, i32, i32) {
    %c0_i32 = arith.constant 0 : i32
    %c0_i32_0 = arith.constant 0 : i32
    %c0_i32_1 = arith.constant 0 : i32
    return %arg0, %c0_i32, %c0_i32_0 : i32, i32, i32
  }
  func.func @transform_3(%arg0: i32) -> (i32, i32, i32) {
    %c0_i32 = arith.constant 0 : i32
    %c0_i32_0 = arith.constant 0 : i32
    %c0_i32_1 = arith.constant 0 : i32
    return %arg0, %c0_i32, %c0_i32_0 : i32, i32, i32
  }
  func.func @transform_4(%arg0: i32) -> (i32, i32) {
    %c0_i32 = arith.constant 0 : i32
    %c0_i32_0 = arith.constant 0 : i32
    return %arg0, %c0_i32 : i32, i32
  }
  func.func @transform_5(%arg0: i32) -> (i32, i32, i32) {
    %c0_i32 = arith.constant 0 : i32
    %c0_i32_0 = arith.constant 0 : i32
    %c0_i32_1 = arith.constant 0 : i32
    return %arg0, %c0_i32, %c0_i32_0 : i32, i32, i32
  }
}

module attributes {stable_mosaic.version = 14 : i64} {
  func.func @_finish_body(%arg0: i32, %arg1: memref<1x5000x128xf32, #tpu.memory_space<vmem>>, %arg2: memref<1x5000x128xf32, #tpu.memory_space<vmem>>, %arg3: memref<5000x128xf32, #tpu.memory_space<vmem>>, %arg4: memref<1x1x5000xf32, #tpu.memory_space<vmem>>, %arg5: memref<1x128xf32, #tpu.memory_space<vmem>>, %arg6: memref<1x1x5000xi32, #tpu.memory_space<vmem>>, %arg7: memref<64x128xf32, #tpu.memory_space<vmem>>, %arg8: memref<64x128xf32, #tpu.memory_space<vmem>>, %arg9: memref<64x1xf32, #tpu.memory_space<vmem>>) attributes {dimension_semantics = [#tpu.dimension_semantics<arbitrary>], iteration_bounds = array<i64: 2>, scalar_prefetch = 0 : i64, scratch_operands = 2 : i64, tpu.core_type = #tpu.core_type<tc>, window_params = [{transform_indices = @transform_0, window_bounds = array<i64: 1, 5000, 128>}, {transform_indices = @transform_1, window_bounds = array<i64: 1, 5000, 128>}, {transform_indices = @transform_2, window_bounds = array<i64: 5000, 128>}, {transform_indices = @transform_3, window_bounds = array<i64: 1, 1, 5000>}, {pipeline_mode = #tpu.pipeline_mode<synchronous>, transform_indices = @transform_4, window_bounds = array<i64: 1, 128>}, {transform_indices = @transform_5, window_bounds = array<i64: 1, 1, 5000>}, {pipeline_mode = #tpu.pipeline_mode<synchronous>, transform_indices = @transform_6, window_bounds = array<i64: 64, 128>}]} {
    %eq3A = arith.constant 0 : i32
    %eq3A_0 = arith.cmpi eq, %arg0, %eq3A : i32
    %convert_element_type3A = arith.extui %eq3A_0 : i1 to i32
    %cond3A = arith.constant 0 : i32
    %cond3A_1 = arith.cmpi ne, %convert_element_type3A, %cond3A : i32
    scf.if %cond3A_1 {
      %broadcast_in_dim3A_57 = arith.constant 0.000000e+00 : f32
      %broadcast_in_dim3A_58 = vector.broadcast %broadcast_in_dim3A_57 : f32 to vector<64x128xf32>
      %swap3A_59 = arith.constant 0 : index
      %swap3A_60 = arith.constant 0 : index
      %swap3A_61 = vector.load %arg8[%swap3A_59, %swap3A_60] : memref<64x128xf32, #tpu.memory_space<vmem>>, vector<64x128xf32>
      tpu.vector_store %arg8[%swap3A_59, %swap3A_60], %broadcast_in_dim3A_58 {strides = array<i32>} : memref<64x128xf32, #tpu.memory_space<vmem>>, vector<64x128xf32>,
      %broadcast_in_dim3A_62 = arith.constant 0.000000e+00 : f32
      %broadcast_in_dim3A_63 = vector.broadcast %broadcast_in_dim3A_62 : f32 to vector<64x1xf32>
      %swap3A_64 = arith.constant 0 : index
      %swap3A_65 = arith.constant 0 : index
      %swap3A_66 = vector.load %arg9[%swap3A_64, %swap3A_65] : memref<64x1xf32, #tpu.memory_space<vmem>>, vector<64x1xf32>
      tpu.vector_store %arg9[%swap3A_64, %swap3A_65], %broadcast_in_dim3A_63 {strides = array<i32>} : memref<64x1xf32, #tpu.memory_space<vmem>>, vector<64x1xf32>,
    } else {
    }
    %get3A = arith.constant 0 : index
    %get3A_2 = arith.constant 0 : index
    %get3A_3 = arith.constant 0 : index
    %get3A_4 = vector.load %arg1[%get3A, %get3A_2, %get3A_3] : memref<1x5000x128xf32, #tpu.memory_space<vmem>>, vector<1x5000x128xf32>
    %get3A_5 = vector.shape_cast %get3A_4 : vector<1x5000x128xf32> to vector<5000x128xf32>
    %get3A_6 = arith.constant 0 : index
    %get3A_7 = arith.constant 0 : index
    %get3A_8 = arith.constant 0 : index
    %get3A_9 = vector.load %arg2[%get3A_6, %get3A_7, %get3A_8] : memref<1x5000x128xf32, #tpu.memory_space<vmem>>, vector<1x5000x128xf32>
    %get3A_10 = vector.shape_cast %get3A_9 : vector<1x5000x128xf32> to vector<5000x128xf32>
    %add3A = arith.addf %get3A_5, %get3A_10 : vector<5000x128xf32>
    %get3A_11 = arith.constant 0 : index
    %get3A_12 = arith.constant 0 : index
    %get3A_13 = arith.constant 0 : index
    %get3A_14 = vector.load %arg4[%get3A_11, %get3A_12, %get3A_13] : memref<1x1x5000xf32, #tpu.memory_space<vmem>>, vector<1x1x5000xf32>
    %get3A_15 = vector.shape_cast %get3A_14 : vector<1x1x5000xf32> to vector<1x5000xf32>
    %transpose3A = tpu.transpose %get3A_15, [1, 0] : vector<1x5000xf32> -> vector<5000x1xf32>
    %get3A_16 = arith.constant 0 : index
    %get3A_17 = arith.constant 0 : index
    %get3A_18 = vector.load %arg3[%get3A_16, %get3A_17] : memref<5000x128xf32, #tpu.memory_space<vmem>>, vector<5000x128xf32>
    %sub3A = arith.subf %add3A, %get3A_18 : vector<5000x128xf32>
    %mul3A = vector.broadcast %transpose3A : vector<5000x1xf32> to vector<5000x128xf32>
    %mul3A_19 = arith.mulf %sub3A, %mul3A : vector<5000x128xf32>
    %get3A_20 = arith.constant 0 : index
    %get3A_21 = arith.constant 0 : index
    %get3A_22 = vector.load %arg5[%get3A_20, %get3A_21] : memref<1x128xf32, #tpu.memory_space<vmem>>, vector<1x128xf32>
    %add3A_23 = vector.broadcast %get3A_22 : vector<1x128xf32> to vector<5000x128xf32>
    %add3A_24 = arith.addf %mul3A_19, %add3A_23 : vector<5000x128xf32>
    %max3A = arith.constant 0.000000e+00 : f32
    %max3A_25 = vector.broadcast %max3A : f32 to vector<5000x128xf32>
    %max3A_26 = arith.maximumf %add3A_24, %max3A_25 : vector<5000x128xf32>
    %get3A_27 = arith.constant 0 : index
    %get3A_28 = arith.constant 0 : index
    %get3A_29 = arith.constant 0 : index
    %get3A_30 = vector.load %arg6[%get3A_27, %get3A_28, %get3A_29] : memref<1x1x5000xi32, #tpu.memory_space<vmem>>, vector<1x1x5000xi32>
    %get3A_31 = vector.shape_cast %get3A_30 : vector<1x1x5000xi32> to vector<1x5000xi32>
    %iota3A = tpu.iota {dimensions = array<i32: 0>} : vector<64x5000xi32>
    %eq3A_32 = vector.broadcast %get3A_31 : vector<1x5000xi32> to vector<64x5000xi32>
    %eq3A_33 = arith.cmpi eq, %eq3A_32, %iota3A : vector<64x5000xi32>
    %jit3A = arith.constant 1.000000e+00 : f32
    %jit3A_34 = arith.constant 0.000000e+00 : f32
    %broadcast_in_dim3A = vector.broadcast %jit3A : f32 to vector<64x5000xf32>
    %broadcast_in_dim3A_35 = vector.broadcast %jit3A_34 : f32 to vector<64x5000xf32>
    %select_n3A = arith.select %eq3A_33, %broadcast_in_dim3A, %broadcast_in_dim3A_35 : vector<64x5000xi1>, vector<64x5000xf32>
    %get3A_36 = arith.constant 0 : index
    %get3A_37 = arith.constant 0 : index
    %get3A_38 = vector.load %arg8[%get3A_36, %get3A_37] : memref<64x128xf32, #tpu.memory_space<vmem>>, vector<64x128xf32>
    %dot_general3A = arith.constant dense<0.000000e+00> : vector<64x128xf32>
    %dot_general3A_39 = tpu.matmul %select_n3A, %max3A_26, %dot_general3A {dimension_numbers = #tpu.dot_dimension_numbers<[1], [0], [0], [1], [0, 0, 1, 1], [], []>, transpose_lhs_hint = false} : vector<64x5000xf32>, vector<5000x128xf32>, vector<64x128xf32> -> vector<64x128xf32>
    %add3A_40 = arith.addf %get3A_38, %dot_general3A_39 : vector<64x128xf32>
    %swap3A = arith.constant 0 : index
    %swap3A_41 = arith.constant 0 : index
    %swap3A_42 = vector.load %arg8[%swap3A, %swap3A_41] : memref<64x128xf32, #tpu.memory_space<vmem>>, vector<64x128xf32>
    tpu.vector_store %arg8[%swap3A, %swap3A_41], %add3A_40 {strides = array<i32>} : memref<64x128xf32, #tpu.memory_space<vmem>>, vector<64x128xf32>,
    %get3A_43 = arith.constant 0 : index
    %get3A_44 = arith.constant 0 : index
    %get3A_45 = vector.load %arg9[%get3A_43, %get3A_44] : memref<64x1xf32, #tpu.memory_space<vmem>>, vector<64x1xf32>
    %reduce_sum3A = arith.constant dense<0.000000e+00> : vector<64xf32>
    %reduce_sum3A_46 = vector.multi_reduction <add>, %select_n3A, %reduce_sum3A [1] : vector<64x5000xf32> to vector<64xf32>
    %broadcast_in_dim3A_47 = vector.shape_cast %reduce_sum3A_46 : vector<64xf32> to vector<64x1xf32>
    %add3A_48 = arith.addf %get3A_45, %broadcast_in_dim3A_47 : vector<64x1xf32>
    %swap3A_49 = arith.constant 0 : index
    %swap3A_50 = arith.constant 0 : index
    %swap3A_51 = vector.load %arg9[%swap3A_49, %swap3A_50] : memref<64x1xf32, #tpu.memory_space<vmem>>, vector<64x1xf32>
    tpu.vector_store %arg9[%swap3A_49, %swap3A_50], %add3A_48 {strides = array<i32>} : memref<64x1xf32, #tpu.memory_space<vmem>>, vector<64x1xf32>,
    %eq3A_52 = arith.constant 1 : i32
    %eq3A_53 = arith.cmpi eq, %arg0, %eq3A_52 : i32
    %convert_element_type3A_54 = arith.extui %eq3A_53 : i1 to i32
    %cond3A_55 = arith.constant 0 : i32
    %cond3A_56 = arith.cmpi ne, %convert_element_type3A_54, %cond3A_55 : i32
    scf.if %cond3A_56 {
      %get3A_57 = arith.constant 0 : index
      %get3A_58 = arith.constant 0 : index
      %get3A_59 = vector.load %arg8[%get3A_57, %get3A_58] : memref<64x128xf32, #tpu.memory_space<vmem>>, vector<64x128xf32>
      %get3A_60 = arith.constant 0 : index
      %get3A_61 = arith.constant 0 : index
      %get3A_62 = vector.load %arg9[%get3A_60, %get3A_61] : memref<64x1xf32, #tpu.memory_space<vmem>>, vector<64x1xf32>
      %max3A_63 = arith.constant 1.000000e+00 : f32
      %max3A_64 = vector.broadcast %max3A_63 : f32 to vector<64x1xf32>
      %max3A_65 = arith.maximumf %get3A_62, %max3A_64 : vector<64x1xf32>
      %div3A = vector.broadcast %max3A_65 : vector<64x1xf32> to vector<64x128xf32>
      %div3A_66 = arith.divf %get3A_59, %div3A : vector<64x128xf32>
      %swap3A_67 = arith.constant 0 : index
      %swap3A_68 = arith.constant 0 : index
      %swap3A_69 = vector.load %arg7[%swap3A_67, %swap3A_68] : memref<64x128xf32, #tpu.memory_space<vmem>>, vector<64x128xf32>
      tpu.vector_store %arg7[%swap3A_67, %swap3A_68], %div3A_66 {strides = array<i32>} : memref<64x128xf32, #tpu.memory_space<vmem>>, vector<64x128xf32>,
    } else {
    }
    return
  }
  func.func @transform_0(%arg0: i32) -> (i32, i32, i32) {
    %c0_i32 = arith.constant 0 : i32
    %c0_i32_0 = arith.constant 0 : i32
    %c0_i32_1 = arith.constant 0 : i32
    return %c0_i32, %arg0, %c0_i32_0 : i32, i32, i32
  }
  func.func @transform_1(%arg0: i32) -> (i32, i32, i32) {
    %c1_i32 = arith.constant 1 : i32
    %c0_i32 = arith.constant 0 : i32
    %c0_i32_0 = arith.constant 0 : i32
    return %c1_i32, %arg0, %c0_i32 : i32, i32, i32
  }
  func.func @transform_2(%arg0: i32) -> (i32, i32) {
    %c0_i32 = arith.constant 0 : i32
    %c0_i32_0 = arith.constant 0 : i32
    return %arg0, %c0_i32 : i32, i32
  }
  func.func @transform_3(%arg0: i32) -> (i32, i32, i32) {
    %c0_i32 = arith.constant 0 : i32
    %c0_i32_0 = arith.constant 0 : i32
    %c0_i32_1 = arith.constant 0 : i32
    return %arg0, %c0_i32, %c0_i32_0 : i32, i32, i32
  }
  func.func @transform_4(%arg0: i32) -> (i32, i32) {
    %c0_i32 = arith.constant 0 : i32
    %c0_i32_0 = arith.constant 0 : i32
    %c0_i32_1 = arith.constant 0 : i32
    return %c0_i32, %c0_i32_0 : i32, i32
  }
  func.func @transform_5(%arg0: i32) -> (i32, i32, i32) {
    %c0_i32 = arith.constant 0 : i32
    %c0_i32_0 = arith.constant 0 : i32
    %c0_i32_1 = arith.constant 0 : i32
    return %arg0, %c0_i32, %c0_i32_0 : i32, i32, i32
  }
  func.func @transform_6(%arg0: i32) -> (i32, i32) {
    %c0_i32 = arith.constant 0 : i32
    %c0_i32_0 = arith.constant 0 : i32
    %c0_i32_1 = arith.constant 0 : i32
    return %c0_i32, %c0_i32_0 : i32, i32
  }
}

</mosaic_0001>

<sc_bundles>
// kernel: kernel.6.cloned.1.call-start
scs
__scs_entry_jumppad:
0x0: {  	(pc) =	sbr.rel $0x88, $3  }
0x1: {  	(tag) =	ssettag $0x0;
	lr =	simm.s32 $0x1  }
0x2: {  	[smem:$0x3F9C] =	sst lr;
	_ =	strace $0xD0000000  }
0x3: {  	_ = 	snop  }
0x4: {  	_ = 	snop  }
0x5: {  	_ = 	snop  }
0x6: {  	_ = 	snop  }
0x7: {  	_ = 	snop  }
__scs_overlays_trampoline_lowered:
0x8: {  	[smem:$0x3FAB] =	sst s0  }
0x9: {  	[smem:$0x3FAC] =	sst s1  }
0xa: {  	[smem:$0x3FAD] =	sst s2  }
0xb: {  	[smem:$0x3FAE] =	sst s3  }
0xc: {  	[smem:$0x3FAF] =	sst s4  }
0xd: {  	[smem:$0x3FB0] =	sst s5  }
0xe: {  	[smem:$0x3FB1] =	sst s6  }
0xf: {  	[smem:$0x3FB2] =	sst s7  }
0x10: {  	[smem:$0x3FB3] =	sst s8  }
0x11: {  	[smem:$0x3FB4] =	sst s9;
	s0 =	simm.s32 @!p0 $0x0  }
0x12: {  	s1 =	sld [smem:$0x3F9A];
	s0 =	simm.s32 @p0 $0x1  }
0x13: {  	[smem:$0x3FB5] =	sst s0;
	s0 =	simm.s32 @!p1 $0x0  }
0x14: {  	s2 =	sld [smem:$0x3F99];
	s0 =	simm.s32 @p1 $0x1  }
0x15: {  	[smem:$0x3FB6] =	sst s0;
	s0 =	simm.s32 @!p2 $0x0  }
0x16: {  	s3 =	sld [smem:$0x3FDB];
	s0 =	simm.s32 @p2 $0x1  }
0x17: {  	s4 =	simm.s32 $0x1BF5;
	[smem:$0x3FB8] =	sst s0  }
0x18: {  	s0 =	sld [smem:$0x3F9B];
	_ =	swait.ge [sflag:s4], $0x0  }
0x19: {  	s7 =	sld [smem:$0x3F9C]  }
0x1a: {  	s8 =	sadd.s32 $0xFFFFE003, lr  }
0x1b: {  	s9 =	sadd.s32 $0xFFFFFEF7, lr;
	s5 =	simm.s32 $0xFFFFFFFF;
	p2 =	slt.u32 s8, $0xFFFFF086  }
0x1c: {  	p1 =	slt.u32 s9, $0xF7A;
	s5 =	simm.s32 @!p2 $0x0  }
0x1d: {  	s5 =	simm.s32 @p1 $0x1;
	p0 =	seq.s32 s7, s2  }
0x1e: {  	s7 =	smul.u32 @!p0 $0xF7A, s2;
	p2 =	seq.s32 @!p0 s5, $0x0  }
0x1f: {  	s9 =	smul.u32 $0xF7A, s1;
	s8 =	simm.s32 @!p0 $0x1BF5;
	p2 =	por !p2, p0  }
0x20: {  	[sflag:s8] =	ssyncset.s32 @!p0 $0xFFFFF086;
	s6 =	sadd.s32 @!p0 s3, s7;
	s7 =	simm.s32 @!p0 $0x108  }
0x21: {  	s3 =	sadd.s32 s3, s9;
	s6 =	sadd.s32 @!p0 $0x88, s6;
	s7 =	simm.s32 @p2 $0x1082  }
0x22: {  	[simem:s7], [sflag:s8] =	dma.local @!p0 [hbm:s6], $0xF7A  }
0x23: {  	s9 =	sor.u32 $0xD0000000, s2;
	s6 =	simm.s32 $0x108;
	_ =	swait.ge @!p0 [sflag:s8], $0x0  }
0x24: {  	s3 =	sadd.s32 $0x88, s3;
	s6 =	simm.s32 @!p1 $0x1082;
	[sflag:s4] =	ssyncset.s32 $0xFFFFF086  }
0x25: {  	[simem:s6], [sflag:s4] =	dma.local [hbm:s3], $0xF7A  }
0x26: {  	[smem:$0x3F9C] =	sst s1;
	(tag) =	ssettag s2;
	_ =	strace s9  }
0x27: {  	s1 =	sld [smem:$0x3FAC]  }
0x28: {  	s2 =	sld [smem:$0x3FAD]  }
0x29: {  	s4 =	sld [smem:$0x3FAF]  }
0x2a: {  	p0 =	seq.s32 s5, $0x0;
	s5 =	sld [smem:$0x3FB0]  }
0x2b: {  	s6 =	sld [smem:$0x3FB1]  }
0x2c: {  	s7 =	sld [smem:$0x3FB2]  }
0x2d: {  	s3 =	simm.s32 $0x108;
	s8 =	sld [smem:$0x3FB3]  }
0x2e: {  	s3 =	simm.s32 @!p0 $0x1082;
	s9 =	sld [smem:$0x3FB4]  }
0x2f: {  	lr =	sadd.s32 s0, s3;
	s0 =	sld [smem:$0x3FAB]  }
0x30: {  	s3 =	sld [smem:$0x3FAE]  }
0x31: {  	[smem:$0x3FB7] =	sst s10  }
0x32: {  	s10 =	sld [smem:$0x3FB5];
	_ =	sdelay $0x3  }
0x33: {  	p0 =	seq.s32 s10, $0x1;
	s10 =	sld [smem:$0x3FB7];
	_ =	sdelay $0x3  }
0x34: {  	[smem:$0x3FB7] =	sst s10  }
0x35: {  	s10 =	sld [smem:$0x3FB6];
	_ =	sdelay $0x3  }
0x36: {  	p1 =	seq.s32 s10, $0x1;
	s10 =	sld [smem:$0x3FB7];
	_ =	sdelay $0x3  }
0x37: {  	[smem:$0x3FB7] =	sst s10  }
0x38: {  	s10 =	sld [smem:$0x3FB8]  }
0x39: {  	_ = 	snop;
	(pc) =	sbr.ind lr, $3  }
0x3a: {  	_ = 	snop  }
0x3b: {  	_ = 	snop  }
0x3c: {  	p2 =	seq.s32 s10, $0x1;
	s10 =	sld [smem:$0x3FB7]  }
0x3d: {  	_ =	shalt  }
0x3e: {  	_ =	shalt  }
0x3f: {  	_ =	shalt  }
0x40: {  	_ =	shalt  }
0x41: {  	_ =	shalt  }
0x42: {  	_ =	shalt  }
0x43: {  	_ =	shalt  }
0x44: {  	_ =	shalt  }
0x45: {  	_ =	shalt  }
0x46: {  	_ =	shalt  }
0x47: {  	_ =	shalt  }
0x48: {  	_ =	shalt  }
0x49: {  	_ =	shalt  }
0x4a: {  	_ =	shalt  }
0x4b: {  	_ =	shalt  }
0x4c: {  	_ =	shalt  }
0x4d: {  	_ =	shalt  }
0x4e: {  	_ =	shalt  }
0x4f: {  	_ =	shalt  }
0x50: {  	_ =	shalt  }
0x51: {  	_ =	shalt  }
0x52: {  	_ =	shalt  }
0x53: {  	_ =	shalt  }
0x54: {  	_ =	shalt  }
0x55: {  	_ =	shalt  }
0x56: {  	_ =	shalt  }
0x57: {  	_ =	shalt  }
0x58: {  	_ =	shalt  }
0x59: {  	_ =	shalt  }
0x5a: {  	_ =	shalt  }
0x5b: {  	_ =	shalt  }
0x5c: {  	_ =	shalt  }
0x5d: {  	_ =	shalt  }
0x5e: {  	_ =	shalt  }
0x5f: {  	_ =	shalt  }
0x60: {  	_ =	shalt  }
0x61: {  	_ =	shalt  }
0x62: {  	_ =	shalt  }
0x63: {  	_ =	shalt  }
0x64: {  	_ =	shalt  }
0x65: {  	_ =	shalt  }
0x66: {  	_ =	shalt  }
0x67: {  	_ =	shalt  }
0x68: {  	_ =	shalt  }
0x69: {  	_ =	shalt  }
0x6a: {  	_ =	shalt  }
0x6b: {  	_ =	shalt  }
0x6c: {  	_ =	shalt  }
0x6d: {  	_ =	shalt  }
0x6e: {  	_ =	shalt  }
0x6f: {  	_ =	shalt  }
0x70: {  	_ =	shalt  }
0x71: {  	_ =	shalt  }
0x72: {  	_ =	shalt  }
0x73: {  	_ =	shalt  }
0x74: {  	_ =	shalt  }
0x75: {  	_ =	shalt  }
0x76: {  	_ =	shalt  }
0x77: {  	_ =	shalt  }
0x78: {  	_ =	shalt  }
0x79: {  	_ =	shalt  }
0x7a: {  	_ =	shalt  }
0x7b: {  	_ =	shalt  }
0x7c: {  	_ =	shalt  }
0x7d: {  	_ =	shalt  }
0x7e: {  	_ =	shalt  }
0x7f: {  	_ =	shalt  }
0x80: {  	_ =	shalt  }
0x81: {  	_ =	shalt  }
0x82: {  	_ =	shalt  }
0x83: {  	_ =	shalt  }
0x84: {  	_ =	shalt  }
0x85: {  	_ =	shalt  }
0x86: {  	_ =	shalt  }
0x87: {  	_ =	shalt  }
.Lfunc_end0:
.L_simem_size_0:
called_computation_lowered:
.L_overlay_start_0:
0x88: {  	s2 =	sld [smem:$0x3FD9]  }
0x89: {  	s3 =	sld [smem:$0x3FFE];
	_ =	sdelay $0x1  }
0x8a: {  	s1 =	srdreg.scid  }
0x8b: {  	s0 =	sand.u32 $0x1, s1  }
0x8c: {  	s16 =	sshll.u32 s0, $0xA;
	s2 =	sadd.s32 s3, s2  }
0x8d: {  	s2 =	sadd.s32 s2, s16  }
0x8e: {  	[smem:$0x3FC3] =	sst s2  }
0x8f: {  	_ = 	snop  }
0x90: {  	(tm) =	ssettm $0x1  }
0x91: {  	s17 =	sld [smem:$0x3FFB];
	_ =	sdelay $0x3  }
0x92: {  	_ =	strace s17  }
0x93: {  	s2 =	sld [smem:$0x3FFC];
	_ =	sdelay $0x3  }
0x94: {  	_ =	strace s2  }
0x95: {  	s2 =	sld [smem:$0x3FFD];
	_ =	sdelay $0x3  }
0x96: {  	_ =	strace s2  }
0x97: {  	_ =	strace $0x8FFFFFFF  }
0x98: {  	s18 =	sld [smem:$0x3FDB];
	_ =	sdelay $0x1  }
0x99: {  	s19 =	simm.s32 $_scs_section_size  }
0x9a: {  	s4 =	simm.s32 $_size__tile_overlayer_lowered;
	s5 =	simm.s32 $_tile_overlayer_lowered  }
0x9b: {  	s22 =	simm.s32 $0x1BFF;
	s21 =	sshll.u32 s5, $0x1;
	s2 =	sadd.s32 s19, s18  }
0x9c: {  	s6 =	simm.s32 $0x0;
	s20 =	sshll.u32 s4, $0x1;
	s4 =	sadd.s32 s21, s2  }
0x9d: {  	[timem:s6], [sflag:s22] =	dma.local [hbm:s4], s20  }
0x9e: {  	_ =	swait.ge [sflag:s22], s20  }
0x9f: {  	s3 =	ssub.s32 $0x0, s20;
	[sflag:s22] =	ssyncset.done $0x0  }
0xa0: {  	[sflag:s22] =	ssyncadd.s32 s3;
	_ =	sdelay $0x1  }
0xa1: {  	s23 =	simm.s32 $0x1B8B  }
0xa2: {  	_ =	swait.ge [sflag:s23], $0x1  }
0xa3: {  	[sflag:s23] =	ssyncset.done $0x0  }
0xa4: {  	s25 =	simm.s32 $0x1B8E;
	s24 =	sld [smem:$0x3FFE];
	[sflag:s23] =	ssyncadd.s32 $0xFFFFFFFF  }
0xa5: {  	s26 =	simm.s32 $execute0_lowered;
	[smem:$0x3FD2] =	sst s25  }
0xa6: {  	s4 =	sshll.u32 s26, $0x1;
	_ =	strace $0x80000046;
	[dreg:$0x1] =	wrdreg $0xFFFFFFFF  }
0xa7: {  	s28 =	simm.s32 $_size_execute0_lowered;
	s2 =	sadd.s32 s2, s4;
	[dreg:$0x0] =	wrdreg $0x0  }
0xa8: {  	s4 =	sshll.u32 s28, $0x1;
	[dreg:$0x2] =	wrdreg s2  }
0xa9: {  	[dreg:$0x3] =	wrdreg s4  }
0xaa: {  	[dreg:$0x4] =	wrdreg $0xC0  }
0xab: {  	_ =	task [dreg:s6], $0x5FFFF  }
0xac: {  	[dreg:$0x1] =	wrdreg $0xFFFFFFFF  }
0xad: {  	[dreg:$0x0] =	wrdreg $0x60  }
0xae: {  	[dreg:$0x2] =	wrdreg s24  }
0xaf: {  	[dreg:$0x3] =	wrdreg $0x3000  }
0xb0: {  	[dreg:$0x4] =	wrdreg $0x9  }
0xb1: {  	_ =	task.clear_ibuf [dreg:s6], $0x5FFFF;
	_ =	strace $0x90000046  }
0xb2: {  	s29 =	simm.s32 $0x9;
	_ =	strace $0x80000048  }
0xb3: {  	_ =	swait.ge [sflag:s29], $0x1  }
0xb4: {  	[sflag:s29] =	ssyncadd.s32 $0xFFFFFFFF  }
0xb5: {  	_ =	strace $0x90000048  }
0xb6: {  	_ =	sfence  }
0xb7: {  	s30 =	sld [smem:$0x0];
	_ =	sdelay $0x2  }
0xb8: {  	s31 =	sshll.u32 s1, $0xD;
	s1 =	sshrl.u32 s1, $0x2  }
0xb9: {  	s3 =	sand.u32 $0x4000, s31;
	s1 =	sadd.s32 s1, s30  }
0xba: {  	s0 =	sor.u32 s3, s0;
	s1 =	sshll.u32 s1, $0x11  }
0xbb: {  	s0 =	sor.u32 s1, s0  }
0xbc: {  	s0 =	sadd.s32 $0x8F2B, s0  }
0xbd: {  	[sflag:s0] =	ssyncadd.remote.s32 $0x1  }
0xbe: {  	_ =	sfence.sel $0xFFFF  }
0xbf: {  	[dreg:$0x0] =	wrdreg $0xFFFFFFFF;
	(pc) =	sbr.abs _section_cstart, $3  }
0xc0: {  	[dreg:$0x1] =	wrdreg $0xFFFFFFFF  }
0xc1: {  	_ =	task.clear_ibuf [dreg:s6], $0x2FFFF;
	_ =	strace $0x9FFFFFFF  }
0xc2: {  	(tm) =	ssettm $0x7FFFFFFF  }
0xc3: {  	_ =	shalt  }
tec
execute0_lowered:
.L_overlay_start_1:
0x0: {  	(tag) =	ssettag $0x1  }
0x1: {  	s4 =	rddreg [dreg:$0x0]  }
0x2: {  	s0 =	srdreg.scid;
	s1 =	rddreg [dreg:$0x1]  }
0x3: {  	s7 =	stileid.u32;
	s2 =	simm.s32 $0x0;
	s28 =	simm.s32 $0x6  }
0x4: {  	s29 =	simm.s32 $0x7;
	s30 =	simm.s32 $0x8;
	s31 =	simm.s32 $0x9  }
0x5: {  	s0 =	sand.u32 $0x1, s0;
	[smem:$0x7FF] =	sst s2;
	s9 =	smul.u32 $0x2710, s7  }
0x6: {  	p0 =	sne.s32 s7, $0x0;
	s5 =	sshll.u32 s0, $0x4;
	_ =	strace $0x80000047  }
0x7: {  	s8 =	ssub.s32 $0x2, s0;
	s3 =	sor.u32 s7, s5;
	s5 =	sadd.s32 s5, s4  }
0x8: {  	s0 =	smul.u32 $0x27100, s0;
	s15 =	sshrl.u32 s8, $0x1;
	s16 =	sadd.s32 $0x14E00, s5  }
0x9: {  	s6 =	smul.u32 $0x2710, s3;
	s19 =	sadd.s32 $0x15800, s5;
	[dreg:$0x4] =	wrdreg s16  }
0xa: {  	s3 =	sadd.s32 $0xB000, s4;
	s0 =	sadd.s32 s9, s0;
	[dreg:$0x8] =	wrdreg s19  }
0xb: {  	s21 =	sadd.s32 $0x280, s0;
	s22 =	sadd.s32 $0x230, s0;
	s12 =	sadd.s32 $0x1E0, s0  }
0xc: {  	s25 =	sadd.s32 $0x140, s0;
	s16 =	sshrl.u32 @!p0 s1, $0x3;
	s19 =	simm.s32 $0x180  }
0xd: {  	s14 =	sshrl.u32 s6, $0x3;
	s6 =	ssub.s32 s8, s15;
	s5 =	sshrl.u32 s21, $0x3  }
0xe: {  	s23 =	sshrl.u32 s22, $0x3;
	s24 =	sshrl.u32 s12, $0x3;
	s26 =	sshrl.u32 s25, $0x3  }
0xf: {  	s21 =	simm.s32 $0x50;
	s22 =	simm.s32 $0x280;
	s25 =	simm.s32 $0x4  }
0x10: {  	s4 =	sadd.s32 s3, s14;
	s20 =	smax.u32 s6, $0x1;
	s11 =	sadd.s32 s5, s3  }
0x11: {  	s12 =	sadd.s32 s23, s3;
	s13 =	sadd.s32 s24, s3;
	s6 =	sadd.s32 $0x190, s0  }
0x12: {  	s15 =	sadd.s32 s26, s3;
	s23 =	simm.s32 $0x200;
	s24 =	simm.s32 $0x2  }
.Ltmp0:
0x13: {  	s26 =	simm.s32 $0x5;
	[dreg:$0x3] =	wrdreg s4;
	(pc) =	sbr.rel .LBB2_1-.Ltmp0, $4  }
0x14: {  	s0 =	simm.s32 $0xA;
	s17 =	sadd.s32 $0xA, s4;
	[dreg:$0x9] =	wrdreg s20  }
0x15: {  	s5 =	simm.s32 $0x0;
	s18 =	sadd.s32 $0x14, s4;
	[dreg:$0x5] =	wrdreg s17  }
0x16: {  	s4 =	sadd.s32 $0x1E, s4;
	s20 =	simm.s32 $0x1;
	[dreg:$0x6] =	wrdreg s18  }
0x17: {  	v0 =	vimm.f32 $1.000000000e+00;
	[dreg:$0x7] =	wrdreg s4;
	s17 =	simm.s32 $0x80;
	s18 =	simm.s32 $0x100  }
.LBB2_4:
0x18: {  	_ =	swait.ge [sflag:s26], $0x50  }
0x19: {  	[sflag:s26] =	ssyncset.done $0x0  }
0x1a: {  	[sflag:s26] =	ssyncadd.s32 $0xFFFFFFB0  }
0x1b: {  	[spmem:s1] =	stream.indirect.scatter.add.f32 [tilespmem:s22], [sflag:$0xA], $0x1, s23, s21, $0xb8;
	[tilespmem:$0x578] =	vst v63  }
0x1c: {  	_ =	swait.ge [sflag:s28], $0x50  }
0x1d: {  	[sflag:s28] =	ssyncset.done $0x0  }
0x1e: {  	[sflag:s28] =	ssyncadd.s32 $0xFFFFFFB0  }
0x1f: {  	_ =	swait.ge [sflag:s29], $0x50  }
0x20: {  	[sflag:s29] =	ssyncset.done $0x0  }
0x21: {  	[sflag:s29] =	ssyncadd.s32 $0xFFFFFFB0  }
0x22: {  	_ =	swait.ge [sflag:s30], $0x50  }
0x23: {  	[sflag:s30] =	ssyncset.done $0x0  }
0x24: {  	[sflag:s30] =	ssyncadd.s32 $0xFFFFFFB0  }
0x25: {  	_ =	swait.ge [sflag:s31], $0x50  }
0x26: {  	[sflag:s31] =	ssyncset.done $0x0  }
0x27: {  	[sflag:s31] =	ssyncadd.s32 $0xFFFFFFB0  }
0x28: {  	_ =	swait.ge [sflag:s0], $0x50  }
0x29: {  	[sflag:s0] =	ssyncset.done $0x0  }
0x2a: {  	[sflag:s0] =	ssyncadd.s32 $0xFFFFFFB0  }
0x2b: {  	s4 =	simm.s32 @!p0 $0x1;
	s7 =	simm.s32 @!p0 $0x20;
	[bflag:$0x0] =	sbarrier.arrive $0xFFFF  }
0x2c: {  	s8 =	simm.s32 @!p0 $0x10;
	s9 =	simm.s32 @!p0 $0x1C0B;
	s10 =	rddreg [dreg:$0x8]  }
0x2d: {  	[hbm:s10@s7], [sflag:s9] =	dma.strided @!p0 [spmem:s16@s8], $0x4F0, s4, $0x10   }
0x2e: {  	s4 =	simm.s32 @!p0 $0xB  }
0x2f: {  	_ =	swait.ge @!p0 [sflag:s4], $0x4F0  }
0x30: {  	s5 =	sadd.s32 $0x1, s5;
	s14 =	rddreg [dreg:$0x9]  }
0x31: {  	p1 =	sne.s32 s5, s14  }
.Ltmp1:
0x32: {  	_ = 	snop;
	(pc) =	sbr.rel @!p1 .LBB2_5-.Ltmp1, $3  }
0x33: {  	_ =	sdelay $0x1  }
0x34: {  	[sflag:s4] =	ssyncset.done @!p0 $0x0  }
0x35: {  	[sflag:s4] =	ssyncadd.s32 @!p0 $0xFFFFFB10  }
.LBB2_1:
0x36: {  	[tilespmem:$0x280] =	vst v0  }
0x37: {  	[tilespmem:$0x290] =	vst v0  }
0x38: {  	[tilespmem:$0x2A0] =	vst v0  }
0x39: {  	[tilespmem:$0x2B0] =	vst v0;
	s7 =	simm.s32 @!p0 $0x1;
	s14 =	simm.s32 @!p0 $0x10  }
0x3a: {  	[tilespmem:$0x2C0] =	vst v0;
	s8 =	simm.s32 @!p0 $0x20;
	s9 =	simm.s32 @!p0 $0x1C0B;
	s4 =	rddreg [dreg:$0x4]  }
0x3b: {  	[spmem:s16@s14], [sflag:s9] =	dma.strided @!p0 [hbm:s4@s8], $0x4F0, s7, $0x10   }
0x3c: {  	s7 =	simm.s32 @!p0 $0xB  }
0x3d: {  	_ =	swait.ge @!p0 [sflag:s7], $0x4F0  }
0x3e: {  	[sflag:s7] =	ssyncset.done @!p0 $0x0  }
0x3f: {  	[sflag:s7] =	ssyncadd.s32 @!p0 $0xFFFFFB10  }
0x40: {  	[bflag:$0x0] =	sbarrier.arrive $0xFFFF  }
0x41: {  	s8 =	rddreg [dreg:$0x3]  }
0x42: {  	[tilespmem:s2], [sflag:$0x1] =	stream.linear.gather [hbm4b:s8+s2], $0x50, $0x38;
	[tilespmem:$0x578] =	vst v63  }
0x43: {  	s9 =	rddreg [dreg:$0x5]  }
0x44: {  	[tilespmem:s17], [sflag:$0x2] =	stream.linear.gather [hbm4b:s9+s2], $0x50, $0x38;
	[tilespmem:$0x578] =	vst v63  }
0x45: {  	s10 =	rddreg [dreg:$0x6]  }
0x46: {  	[tilespmem:s18], [sflag:$0x3] =	stream.linear.gather [hbm4b:s10+s2], $0x50, $0x38;
	[tilespmem:$0x578] =	vst v63  }
0x47: {  	s14 =	rddreg [dreg:$0x7]  }
0x48: {  	[tilespmem:s19], [sflag:$0x4] =	stream.linear.gather [hbm4b:s14+s2], $0x50, $0x38;
	[tilespmem:$0x578] =	vst v63  }
0x49: {  	s7 =	simm.s32 $0x0;
	s14 =	smov.u32 s6  }
.LBB2_2:
0x4a: {  	_ =	swait.ge [sflag:s20], $0x50  }
0x4b: {  	p1 =	seq.s32 s7, $0x0;
	[sflag:s20] =	ssyncset.done $0x0  }
0x4c: {  	s8 =	simm.s32 @!p1 $0xA;
	[sflag:s20] =	ssyncadd.s32 $0xFFFFFFB0  }
0x4d: {  	[spmem:s1] =	stream.indirect.scatter.add.f32 [tilespmem:s22], [sflag:$0x6], $0x1, s2, s21, $0xb8;
	[tilespmem:$0x578] =	vst v63  }
0x4e: {  	_ =	swait.ge @!p1 [sflag:s8], $0x50  }
0x4f: {  	[sflag:s8] =	ssyncset.done @!p1 $0x0  }
0x50: {  	s10 =	sadd.s32 s7, s15;
	[sflag:s8] =	ssyncadd.s32 @!p1 $0xFFFFFFB0  }
0x51: {  	[tilespmem:s23], [sflag:$0x5] =	stream.linear.gather [hbm4b:s10+s2], $0x50, $0x38;
	[tilespmem:$0x578] =	vst v63  }
0x52: {  	_ =	swait.ge [sflag:s24], $0x50  }
0x53: {  	p1 =	seq.s32 s7, $0x4B0;
	[sflag:s24] =	ssyncset.done $0x0  }
0x54: {  	s8 =	simm.s32 @p1 $0x3;
	[sflag:s24] =	ssyncadd.s32 $0xFFFFFFB0  }
0x55: {  	[spmem:s1] =	stream.indirect.scatter.add.f32 [tilespmem:s22], [sflag:$0x7], $0x1, s17, s21, $0xb8;
	[tilespmem:$0x578] =	vst v63  }
0x56: {  	_ =	swait.ge @p1 [sflag:s8], $0x50  }
0x57: {  	s9 =	simm.s32 @p1 $0x100;
	[sflag:s8] =	ssyncset.done @p1 $0x0  }
0x58: {  	s10 =	simm.s32 @p1 $0x280;
	[sflag:s8] =	ssyncadd.s32 @p1 $0xFFFFFFB0;
	s8 =	simm.s32 @p1 $0x50  }
0x59: {  	[spmem:s1] =	stream.indirect.scatter.add.f32 @p1 [tilespmem:s10], [sflag:$0x8], $0x1, s9, s8, $0xb8;
	[tilespmem:$0x578] =	vst v63  }
0x5a: {  	s8 =	simm.s32 @!p1 $0x6  }
0x5b: {  	_ =	swait.ge @!p1 [sflag:s8], $0x50  }
0x5c: {  	s9 =	sshrl.u32 @!p1 s14, $0x3;
	[sflag:s8] =	ssyncset.done @!p1 $0x0  }
0x5d: {  	[sflag:s8] =	ssyncadd.s32 @!p1 $0xFFFFFFB0;
	s8 =	sadd.s32 @!p1 s3, s9;
	s9 =	simm.s32 @!p1 $0x0  }
0x5e: {  	[tilespmem:s9], [sflag:$0x1] =	stream.linear.gather @!p1 [hbm4b:s8+s9], $0x50, $0x38;
	[tilespmem:$0x578] =	vst v63  }
0x5f: {  	s8 =	simm.s32 @!p1 $0x3  }
0x60: {  	_ =	swait.ge @!p1 [sflag:s8], $0x50  }
0x61: {  	s4 =	simm.s32 @!p1 $0x280;
	[sflag:s8] =	ssyncset.done @!p1 $0x0  }
0x62: {  	s10 =	simm.s32 @!p1 $0x100;
	[sflag:s8] =	ssyncadd.s32 @!p1 $0xFFFFFFB0;
	s8 =	simm.s32 @!p1 $0x50  }
0x63: {  	[spmem:s1] =	stream.indirect.scatter.add.f32 @!p1 [tilespmem:s4], [sflag:$0x8], $0x1, s10, s8, $0xb8;
	[tilespmem:$0x578] =	vst v63  }
0x64: {  	s4 =	simm.s32 @!p1 $0x7  }
0x65: {  	_ =	swait.ge @!p1 [sflag:s4], $0x50  }
0x66: {  	[sflag:s4] =	ssyncset.done @!p1 $0x0  }
0x67: {  	s8 =	simm.s32 @!p1 $0x80;
	[sflag:s4] =	ssyncadd.s32 @!p1 $0xFFFFFFB0;
	s4 =	sadd.s32 @!p1 s7, s13  }
0x68: {  	[tilespmem:s8], [sflag:$0x2] =	stream.linear.gather @!p1 [hbm4b:s4+s9], $0x50, $0x38;
	[tilespmem:$0x578] =	vst v63  }
.Ltmp2:
0x69: {  	_ = 	snop;
	(pc) =	sbr.rel @p1 .LBB2_4-.Ltmp2, $4  }
0x6a: {  	_ =	swait.ge [sflag:s25], $0x50  }
0x6b: {  	[sflag:s25] =	ssyncset.done $0x0  }
0x6c: {  	[sflag:s25] =	ssyncadd.s32 $0xFFFFFFB0  }
0x6d: {  	[spmem:s1] =	stream.indirect.scatter.add.f32 [tilespmem:s22], [sflag:$0x9], $0x1, s19, s21, $0xb8;
	[tilespmem:$0x578] =	vst v63  }
0x6e: {  	_ =	swait.ge [sflag:s30], $0x50  }
0x6f: {  	[sflag:s30] =	ssyncset.done $0x0  }
0x70: {  	s4 =	sadd.s32 s7, s12;
	[sflag:s30] =	ssyncadd.s32 $0xFFFFFFB0  }
0x71: {  	[tilespmem:s18], [sflag:$0x3] =	stream.linear.gather [hbm4b:s4+s2], $0x50, $0x38;
	[tilespmem:$0x578] =	vst v63  }
0x72: {  	_ =	swait.ge [sflag:s26], $0x50  }
0x73: {  	[sflag:s26] =	ssyncset.done $0x0  }
0x74: {  	[sflag:s26] =	ssyncadd.s32 $0xFFFFFFB0  }
0x75: {  	[spmem:s1] =	stream.indirect.scatter.add.f32 [tilespmem:s22], [sflag:$0xA], $0x1, s23, s21, $0xb8;
	[tilespmem:$0x578] =	vst v63  }
.Ltmp3:
0x76: {  	_ = 	snop;
	(pc) =	sbr.rel .LBB2_2-.Ltmp3, $4  }
0x77: {  	_ =	swait.ge [sflag:s31], $0x50  }
0x78: {  	s10 =	sadd.s32 s7, s11;
	[sflag:s31] =	ssyncset.done $0x0  }
0x79: {  	s7 =	sadd.s32 $0x32, s7;
	s14 =	sadd.s32 $0x190, s14;
	[sflag:s31] =	ssyncadd.s32 $0xFFFFFFB0  }
0x7a: {  	[tilespmem:s19], [sflag:$0x4] =	stream.linear.gather [hbm4b:s10+s2], $0x50, $0x38;
	[tilespmem:$0x578] =	vst v63  }
.LBB2_5:
0x7b: {  	_ =	sfence.sel $0x180000  }
0x7c: {  	[bflag:$0x0] =	sbarrier.arrive $0xFFFF  }
0x7d: {  	_ =	strace $0x90000047  }
0x7e: {  	[bflag:$0x2] =	sbarrier.arrive $0xFFFF  }
0x7f: {  	s0 =	rddreg [dreg:$0x2]  }
0x80: {  	s0 =	sadd.s32 @!p0 $0x100000, s0  }
0x81: {  	[sflag:s0] =	ssyncadd.tile.s32 @!p0 $0x1;
	_ =	shalt  }
.Lfunc_end2:
_tile_overlayer_lowered:
.L_overlay_start_2:
0x82: {  	(tag) =	ssettag $0x2  }
0x83: {  	s0 =	rddreg [dreg:$0x0];
	s2 =	stileid.u32  }
0x84: {  	s1 =	rddreg [dreg:$0x1];
	p0 =	sne.s32 s2, $0x0  }
0x85: {  	s3 =	rddreg [dreg:$0x2];
	[bflag:$0x3] =	sbarrier.arrive $0xFFFF;
	s2 =	simm.s32 @!p0 $0x1C0B  }
0x86: {  	[timem:s3], [sflag:s2] =	dma.local @!p0 [hbm:s0], s1  }
0x87: {  	s0 =	simm.s32 @!p0 $0xB  }
0x88: {  	_ =	swait.ge @!p0 [sflag:s0], s1  }
0x89: {  	s1 =	ssub.s32 @!p0 $0x0, s1;
	[sflag:s0] =	ssyncset.done @!p0 $0x0  }
0x8a: {  	[sflag:s0] =	ssyncadd.s32 @!p0 s1  }
0x8b: {  	[bflag:$0x3] =	sbarrier.arrive $0xFFFF  }
0x8c: {  	_ =	shalt  }

// kernel: kernel.9.cloned.1.call-start
scs
__scs_entry_jumppad:
0x0: {  	(pc) =	sbr.rel $0x88, $3  }
0x1: {  	(tag) =	ssettag $0x0;
	lr =	simm.s32 $0x1  }
0x2: {  	[smem:$0x3F9C] =	sst lr;
	_ =	strace $0xD0000000  }
0x3: {  	_ = 	snop  }
0x4: {  	_ = 	snop  }
0x5: {  	_ = 	snop  }
0x6: {  	_ = 	snop  }
0x7: {  	_ = 	snop  }
__scs_overlays_trampoline_lowered:
0x8: {  	[smem:$0x3FAB] =	sst s0  }
0x9: {  	[smem:$0x3FAC] =	sst s1  }
0xa: {  	[smem:$0x3FAD] =	sst s2  }
0xb: {  	[smem:$0x3FAE] =	sst s3  }
0xc: {  	[smem:$0x3FAF] =	sst s4  }
0xd: {  	[smem:$0x3FB0] =	sst s5  }
0xe: {  	[smem:$0x3FB1] =	sst s6  }
0xf: {  	[smem:$0x3FB2] =	sst s7  }
0x10: {  	[smem:$0x3FB3] =	sst s8  }
0x11: {  	[smem:$0x3FB4] =	sst s9;
	s0 =	simm.s32 @!p0 $0x0  }
0x12: {  	s1 =	sld [smem:$0x3F9A];
	s0 =	simm.s32 @p0 $0x1  }
0x13: {  	[smem:$0x3FB5] =	sst s0;
	s0 =	simm.s32 @!p1 $0x0  }
0x14: {  	s2 =	sld [smem:$0x3F99];
	s0 =	simm.s32 @p1 $0x1  }
0x15: {  	[smem:$0x3FB6] =	sst s0;
	s0 =	simm.s32 @!p2 $0x0  }
0x16: {  	s3 =	sld [smem:$0x3FDB];
	s0 =	simm.s32 @p2 $0x1  }
0x17: {  	s4 =	simm.s32 $0x1BF5;
	[smem:$0x3FB8] =	sst s0  }
0x18: {  	s0 =	sld [smem:$0x3F9B];
	_ =	swait.ge [sflag:s4], $0x0  }
0x19: {  	s7 =	sld [smem:$0x3F9C]  }
0x1a: {  	s8 =	sadd.s32 $0xFFFFE003, lr  }
0x1b: {  	s9 =	sadd.s32 $0xFFFFFEF7, lr;
	s5 =	simm.s32 $0xFFFFFFFF;
	p2 =	slt.u32 s8, $0xFFFFF086  }
0x1c: {  	p1 =	slt.u32 s9, $0xF7A;
	s5 =	simm.s32 @!p2 $0x0  }
0x1d: {  	s5 =	simm.s32 @p1 $0x1;
	p0 =	seq.s32 s7, s2  }
0x1e: {  	s7 =	smul.u32 @!p0 $0xF7A, s2;
	p2 =	seq.s32 @!p0 s5, $0x0  }
0x1f: {  	s9 =	smul.u32 $0xF7A, s1;
	s8 =	simm.s32 @!p0 $0x1BF5;
	p2 =	por !p2, p0  }
0x20: {  	[sflag:s8] =	ssyncset.s32 @!p0 $0xFFFFF086;
	s6 =	sadd.s32 @!p0 s3, s7;
	s7 =	simm.s32 @!p0 $0x108  }
0x21: {  	s3 =	sadd.s32 s3, s9;
	s6 =	sadd.s32 @!p0 $0x88, s6;
	s7 =	simm.s32 @p2 $0x1082  }
0x22: {  	[simem:s7], [sflag:s8] =	dma.local @!p0 [hbm:s6], $0xF7A  }
0x23: {  	s9 =	sor.u32 $0xD0000000, s2;
	s6 =	simm.s32 $0x108;
	_ =	swait.ge @!p0 [sflag:s8], $0x0  }
0x24: {  	s3 =	sadd.s32 $0x88, s3;
	s6 =	simm.s32 @!p1 $0x1082;
	[sflag:s4] =	ssyncset.s32 $0xFFFFF086  }
0x25: {  	[simem:s6], [sflag:s4] =	dma.local [hbm:s3], $0xF7A  }
0x26: {  	[smem:$0x3F9C] =	sst s1;
	(tag) =	ssettag s2;
	_ =	strace s9  }
0x27: {  	s1 =	sld [smem:$0x3FAC]  }
0x28: {  	s2 =	sld [smem:$0x3FAD]  }
0x29: {  	s4 =	sld [smem:$0x3FAF]  }
0x2a: {  	p0 =	seq.s32 s5, $0x0;
	s5 =	sld [smem:$0x3FB0]  }
0x2b: {  	s6 =	sld [smem:$0x3FB1]  }
0x2c: {  	s7 =	sld [smem:$0x3FB2]  }
0x2d: {  	s3 =	simm.s32 $0x108;
	s8 =	sld [smem:$0x3FB3]  }
0x2e: {  	s3 =	simm.s32 @!p0 $0x1082;
	s9 =	sld [smem:$0x3FB4]  }
0x2f: {  	lr =	sadd.s32 s0, s3;
	s0 =	sld [smem:$0x3FAB]  }
0x30: {  	s3 =	sld [smem:$0x3FAE]  }
0x31: {  	[smem:$0x3FB7] =	sst s10  }
0x32: {  	s10 =	sld [smem:$0x3FB5];
	_ =	sdelay $0x3  }
0x33: {  	p0 =	seq.s32 s10, $0x1;
	s10 =	sld [smem:$0x3FB7];
	_ =	sdelay $0x3  }
0x34: {  	[smem:$0x3FB7] =	sst s10  }
0x35: {  	s10 =	sld [smem:$0x3FB6];
	_ =	sdelay $0x3  }
0x36: {  	p1 =	seq.s32 s10, $0x1;
	s10 =	sld [smem:$0x3FB7];
	_ =	sdelay $0x3  }
0x37: {  	[smem:$0x3FB7] =	sst s10  }
0x38: {  	s10 =	sld [smem:$0x3FB8]  }
0x39: {  	_ = 	snop;
	(pc) =	sbr.ind lr, $3  }
0x3a: {  	_ = 	snop  }
0x3b: {  	_ = 	snop  }
0x3c: {  	p2 =	seq.s32 s10, $0x1;
	s10 =	sld [smem:$0x3FB7]  }
0x3d: {  	_ =	shalt  }
0x3e: {  	_ =	shalt  }
0x3f: {  	_ =	shalt  }
0x40: {  	_ =	shalt  }
0x41: {  	_ =	shalt  }
0x42: {  	_ =	shalt  }
0x43: {  	_ =	shalt  }
0x44: {  	_ =	shalt  }
0x45: {  	_ =	shalt  }
0x46: {  	_ =	shalt  }
0x47: {  	_ =	shalt  }
0x48: {  	_ =	shalt  }
0x49: {  	_ =	shalt  }
0x4a: {  	_ =	shalt  }
0x4b: {  	_ =	shalt  }
0x4c: {  	_ =	shalt  }
0x4d: {  	_ =	shalt  }
0x4e: {  	_ =	shalt  }
0x4f: {  	_ =	shalt  }
0x50: {  	_ =	shalt  }
0x51: {  	_ =	shalt  }
0x52: {  	_ =	shalt  }
0x53: {  	_ =	shalt  }
0x54: {  	_ =	shalt  }
0x55: {  	_ =	shalt  }
0x56: {  	_ =	shalt  }
0x57: {  	_ =	shalt  }
0x58: {  	_ =	shalt  }
0x59: {  	_ =	shalt  }
0x5a: {  	_ =	shalt  }
0x5b: {  	_ =	shalt  }
0x5c: {  	_ =	shalt  }
0x5d: {  	_ =	shalt  }
0x5e: {  	_ =	shalt  }
0x5f: {  	_ =	shalt  }
0x60: {  	_ =	shalt  }
0x61: {  	_ =	shalt  }
0x62: {  	_ =	shalt  }
0x63: {  	_ =	shalt  }
0x64: {  	_ =	shalt  }
0x65: {  	_ =	shalt  }
0x66: {  	_ =	shalt  }
0x67: {  	_ =	shalt  }
0x68: {  	_ =	shalt  }
0x69: {  	_ =	shalt  }
0x6a: {  	_ =	shalt  }
0x6b: {  	_ =	shalt  }
0x6c: {  	_ =	shalt  }
0x6d: {  	_ =	shalt  }
0x6e: {  	_ =	shalt  }
0x6f: {  	_ =	shalt  }
0x70: {  	_ =	shalt  }
0x71: {  	_ =	shalt  }
0x72: {  	_ =	shalt  }
0x73: {  	_ =	shalt  }
0x74: {  	_ =	shalt  }
0x75: {  	_ =	shalt  }
0x76: {  	_ =	shalt  }
0x77: {  	_ =	shalt  }
0x78: {  	_ =	shalt  }
0x79: {  	_ =	shalt  }
0x7a: {  	_ =	shalt  }
0x7b: {  	_ =	shalt  }
0x7c: {  	_ =	shalt  }
0x7d: {  	_ =	shalt  }
0x7e: {  	_ =	shalt  }
0x7f: {  	_ =	shalt  }
0x80: {  	_ =	shalt  }
0x81: {  	_ =	shalt  }
0x82: {  	_ =	shalt  }
0x83: {  	_ =	shalt  }
0x84: {  	_ =	shalt  }
0x85: {  	_ =	shalt  }
0x86: {  	_ =	shalt  }
0x87: {  	_ =	shalt  }
.Lfunc_end0:
.L_simem_size_0:
called_computation.1_lowered:
.L_overlay_start_0:
0x88: {  	s2 =	sld [smem:$0x3FD9]  }
0x89: {  	s3 =	sld [smem:$0x3FFE];
	_ =	sdelay $0x1  }
0x8a: {  	s1 =	srdreg.scid  }
0x8b: {  	s0 =	sand.u32 $0x1, s1  }
0x8c: {  	s16 =	sshll.u32 s0, $0xA;
	s2 =	sadd.s32 s3, s2  }
0x8d: {  	s2 =	sadd.s32 s2, s16  }
0x8e: {  	[smem:$0x3FC3] =	sst s2  }
0x8f: {  	_ = 	snop  }
0x90: {  	(tm) =	ssettm $0x1  }
0x91: {  	s17 =	sld [smem:$0x3FFB];
	_ =	sdelay $0x3  }
0x92: {  	_ =	strace s17  }
0x93: {  	s2 =	sld [smem:$0x3FFC];
	_ =	sdelay $0x3  }
0x94: {  	_ =	strace s2  }
0x95: {  	s2 =	sld [smem:$0x3FFD];
	_ =	sdelay $0x3  }
0x96: {  	_ =	strace s2  }
0x97: {  	_ =	strace $0x8FFFFFFF  }
0x98: {  	s18 =	sld [smem:$0x3FDB];
	_ =	sdelay $0x1  }
0x99: {  	s19 =	simm.s32 $_scs_section_size  }
0x9a: {  	s4 =	simm.s32 $_size__tile_overlayer_lowered;
	s5 =	simm.s32 $_tile_overlayer_lowered  }
0x9b: {  	s22 =	simm.s32 $0x1BFF;
	s21 =	sshll.u32 s5, $0x1;
	s2 =	sadd.s32 s19, s18  }
0x9c: {  	s6 =	simm.s32 $0x0;
	s20 =	sshll.u32 s4, $0x1;
	s4 =	sadd.s32 s21, s2  }
0x9d: {  	[timem:s6], [sflag:s22] =	dma.local [hbm:s4], s20  }
0x9e: {  	_ =	swait.ge [sflag:s22], s20  }
0x9f: {  	s3 =	ssub.s32 $0x0, s20;
	[sflag:s22] =	ssyncset.done $0x0  }
0xa0: {  	[sflag:s22] =	ssyncadd.s32 s3;
	_ =	sdelay $0x1  }
0xa1: {  	s23 =	simm.s32 $0x1B8B  }
0xa2: {  	_ =	swait.ge [sflag:s23], $0x1  }
0xa3: {  	[sflag:s23] =	ssyncset.done $0x0  }
0xa4: {  	s25 =	simm.s32 $0x1B8E;
	s24 =	sld [smem:$0x3FFE];
	[sflag:s23] =	ssyncadd.s32 $0xFFFFFFFF  }
0xa5: {  	s26 =	simm.s32 $execute0_lowered;
	[smem:$0x3FD2] =	sst s25  }
0xa6: {  	s4 =	sshll.u32 s26, $0x1;
	_ =	strace $0x80000049;
	[dreg:$0x1] =	wrdreg $0xFFFFFFFF  }
0xa7: {  	s28 =	simm.s32 $_size_execute0_lowered;
	s2 =	sadd.s32 s2, s4;
	[dreg:$0x0] =	wrdreg $0x0  }
0xa8: {  	s4 =	sshll.u32 s28, $0x1;
	[dreg:$0x2] =	wrdreg s2  }
0xa9: {  	[dreg:$0x3] =	wrdreg s4  }
0xaa: {  	[dreg:$0x4] =	wrdreg $0xC0  }
0xab: {  	_ =	task [dreg:s6], $0x5FFFF  }
0xac: {  	[dreg:$0x1] =	wrdreg $0xFFFFFFFF  }
0xad: {  	[dreg:$0x0] =	wrdreg $0x60  }
0xae: {  	[dreg:$0x2] =	wrdreg s24  }
0xaf: {  	[dreg:$0x3] =	wrdreg $0xB7000  }
0xb0: {  	[dreg:$0x4] =	wrdreg $0x9  }
0xb1: {  	_ =	task.clear_ibuf [dreg:s6], $0x5FFFF;
	_ =	strace $0x90000049  }
0xb2: {  	s29 =	simm.s32 $0x9;
	_ =	strace $0x8000004B  }
0xb3: {  	_ =	swait.ge [sflag:s29], $0x1  }
0xb4: {  	[sflag:s29] =	ssyncadd.s32 $0xFFFFFFFF  }
0xb5: {  	_ =	strace $0x9000004B  }
0xb6: {  	_ =	sfence  }
0xb7: {  	s30 =	sld [smem:$0x0];
	_ =	sdelay $0x2  }
0xb8: {  	s31 =	sshll.u32 s1, $0xD;
	s1 =	sshrl.u32 s1, $0x2  }
0xb9: {  	s3 =	sand.u32 $0x4000, s31;
	s1 =	sadd.s32 s1, s30  }
0xba: {  	s0 =	sor.u32 s3, s0;
	s1 =	sshll.u32 s1, $0x11  }
0xbb: {  	s0 =	sor.u32 s1, s0  }
0xbc: {  	s0 =	sadd.s32 $0x8F2B, s0  }
0xbd: {  	[sflag:s0] =	ssyncadd.remote.s32 $0x1  }
0xbe: {  	_ =	sfence.sel $0xFFFF  }
0xbf: {  	[dreg:$0x0] =	wrdreg $0xFFFFFFFF;
	(pc) =	sbr.abs _section_cstart, $3  }
0xc0: {  	[dreg:$0x1] =	wrdreg $0xFFFFFFFF  }
0xc1: {  	_ =	task.clear_ibuf [dreg:s6], $0x2FFFF;
	_ =	strace $0x9FFFFFFF  }
0xc2: {  	(tm) =	ssettm $0x7FFFFFFF  }
0xc3: {  	_ =	shalt  }
tec
execute0_lowered:
.L_overlay_start_1:
0x0: {  	(tag) =	ssettag $0x1  }
0x1: {  	s0 =	srdreg.scid;
	s1 =	rddreg [dreg:$0x0]  }
0x2: {  	s12 =	stileid.u32;
	s2 =	rddreg [dreg:$0x1];
	s28 =	simm.s32 $0x0  }
0x3: {  	s29 =	simm.s32 $0x28;
	s30 =	simm.s32 $0xD;
	s31 =	simm.s32 $0x7  }
0x4: {  	s0 =	sand.u32 $0x1, s0;
	[smem:$0x7FF] =	sst s28;
	s8 =	smul.u32 $0x4E000, s12  }
0x5: {  	s16 =	sadd.s32 $0xB000, s1;
	s5 =	sadd.s32 $0x14E00, s1;
	s13 =	smul.u32 $0x2700, s12  }
0x6: {  	s23 =	sadd.s32 $0x124800, s2;
	p0 =	seq.s32 s12, $0xF;
	s3 =	sshll.u32 s0, $0x4  }
0x7: {  	_ =	strace $0x8000004A;
	s9 =	smul.u32 $0x27100, s0;
	s0 =	ssub.s32 $0x2, s0  }
0x8: {  	[dreg:$0x6] =	wrdreg s23;
	s4 =	sor.u32 s12, s3;
	s10 =	sshrl.u32 s0, $0x1  }
0x9: {  	s8 =	sshrl.u32 s8, $0x2;
	[dreg:$0x3] =	wrdreg s13;
	s22 =	sadd.s32 s5, s13  }
0xa: {  	s4 =	smul.u32 $0x2710, s4;
	s11 =	sadd.s32 s9, s1;
	s0 =	ssub.s32 s0, s10  }
0xb: {  	s8 =	sadd.s32 s8, s2;
	[dreg:$0x5] =	wrdreg s22;
	s2 =	smul.u32 $0x2710, s12  }
0xc: {  	[dreg:$0x4] =	wrdreg s8;
	s14 =	sadd.s32 $0x3C000, s11;
	s0 =	smax.u32 s0, $0x1  }
0xd: {  	s6 =	sshrl.u32 s4, $0x3;
	s26 =	sadd.s32 $0x28, s4;
	[dreg:$0xe] =	wrdreg s14  }
0xe: {  	s4 =	sadd.s32 $0x78, s4;
	s13 =	sadd.s32 s2, s9;
	[dreg:$0xf] =	wrdreg s0  }
0xf: {  	s7 =	sadd.s32 s6, s1;
	s1 =	sadd.s32 $0x39700, s1;
	s25 =	sadd.s32 s16, s6  }
0x10: {  	s8 =	sshrl.u32 s4, $0x3;
	s15 =	sadd.s32 $0x1B8, s13;
	s17 =	sadd.s32 $0x190, s13  }
0x11: {  	s6 =	sadd.s32 $0x168, s13;
	s21 =	sadd.s32 $0x140, s13;
	s22 =	sadd.s32 $0xF0, s13  }
0x12: {  	s23 =	sadd.s32 $0xC8, s13;
	s4 =	simm.s32 $0x0;
	[dreg:$0x7] =	wrdreg s1  }
0x13: {  	s24 =	sadd.s32 $0x1200, s7;
	s1 =	sshrl.u32 s26, $0x3;
	[dreg:$0x9] =	wrdreg s25  }
0x14: {  	s3 =	sadd.s32 $0xA, s25;
	s10 =	sadd.s32 $0x14, s25;
	[dreg:$0x8] =	wrdreg s24  }
0x15: {  	s0 =	sshrl.u32 s15, $0x3;
	s18 =	sshrl.u32 s17, $0x3;
	[dreg:$0xb] =	wrdreg s3  }
0x16: {  	s19 =	sshrl.u32 s6, $0x3;
	s1 =	sadd.s32 s16, s1;
	[dreg:$0xd] =	wrdreg s10  }
0x17: {  	s25 =	sshrl.u32 s23, $0x3;
	s0 =	sadd.s32 s0, s16;
	[dreg:$0xa] =	wrdreg s1  }
0x18: {  	s7 =	simm.s32 $0x6;
	s20 =	sadd.s32 s19, s16;
	[dreg:$0x10] =	wrdreg s0  }
0x19: {  	s23 =	simm.s32 $0xE;
	s26 =	sadd.s32 s25, s16;
	[dreg:$0x12] =	wrdreg s20  }
0x1a: {  	s24 =	sshrl.u32 s22, $0x3;
	s1 =	sadd.s32 s16, s8;
	[dreg:$0x16] =	wrdreg s26  }
0x1b: {  	s25 =	simm.s32 $0x2A80;
	s0 =	sadd.s32 s18, s16;
	[dreg:$0xc] =	wrdreg s1  }
0x1c: {  	[dreg:$0x11] =	wrdreg s0;
	s0 =	sshrl.u32 s21, $0x3;
	s1 =	sadd.s32 $0x118, s13  }
0x1d: {  	s21 =	simm.s32 $0x2A00;
	s0 =	sadd.s32 s0, s16;
	[dreg:$0x14] =	wrdreg s1  }
0x1e: {  	s1 =	simm.s32 $0x8F00;
	[dreg:$0x13] =	wrdreg s0;
	s0 =	sadd.s32 s24, s16  }
0x1f: {  	s24 =	simm.s32 $0x7;
	[dreg:$0x15] =	wrdreg s0;
	s0 =	simm.s32 $0xA300  }
.LBB2_1:
0x20: {  	[dreg:$0x17] =	wrdreg s4  }
0x21: {  	s6 =	rddreg [dreg:$0x6]  }
0x22: {  	s8 =	rddreg [dreg:$0x7];
	s4 =	sshrl.u32 @p0 s6, $0x3  }
0x23: {  	s6 =	simm.s32 @p0 $0x1FD6;
	[dreg:$0x18] =	wrdreg s4  }
0x24: {  	[spmem:s4], [sflag:s6] =	dma.local @p0 [hbm:s8], $0x2800  }
0x25: {  	s6 =	simm.s32 @p0 $0x16  }
0x26: {  	s8 =	stileid.u32;
	_ =	swait.ge @p0 [sflag:s6], $0x2800  }
0x27: {  	s8 =	sshll.u32 @!p0 s8, $0x6;
	[sflag:s6] =	ssyncset.done @p0 $0x0  }
0x28: {  	s4 =	sor.u32 @!p0 $0x1C16, s8;
	[sflag:s6] =	ssyncadd.s32 @p0 $0xFFFFD800;
	s6 =	rddreg [dreg:$0x4]  }
0x29: {  	[dreg:$0x19] =	wrdreg s4  }
0x2a: {  	s8 =	sshrl.u32 @!p0 s6, $0x3;
	s6 =	rddreg [dreg:$0x5]  }
0x2b: {  	[dreg:$0x1a] =	wrdreg s8  }
0x2c: {  	[spmem:s8], [sflag:s4] =	dma.local @!p0 [hbm:s6], $0x2700  }
0x2d: {  	s6 =	simm.s32 @!p0 $0x16  }
0x2e: {  	_ =	swait.ge @!p0 [sflag:s6], $0x2700  }
0x2f: {  	[sflag:s6] =	ssyncset.done @!p0 $0x0  }
0x30: {  	s19 =	simm.s32 $0x16;
	s18 =	rddreg [dreg:$0x8];
	[sflag:s6] =	ssyncadd.s32 @!p0 $0xFFFFD900  }
0x31: {  	[tilespmem:s28], [sflag:$0x16] =	stream.linear.gather [hbm4b:s18+s28], $0x2710, $0x38;
	[tilespmem:$0x1EF80] =	vst v63  }
0x32: {  	_ =	swait.ge [sflag:s19], $0x2710  }
0x33: {  	[sflag:s19] =	ssyncset.done $0x0  }
0x34: {  	[sflag:s19] =	ssyncadd.s32 $0xFFFFD8F0  }
0x35: {  	[bflag:$0x0] =	sbarrier.arrive $0xFFFF  }
0x36: {  	s8 =	simm.s32 $0x2780;
	s20 =	rddreg [dreg:$0x9]  }
0x37: {  	[tilespmem:s8], [sflag:$0x1] =	stream.linear.gather [hbm4b:s20+s28], $0x28, $0x38;
	[tilespmem:$0x1EF80] =	vst v63  }
0x38: {  	s11 =	simm.s32 $0x2B00  }
0x39: {  	[tilespmem:s11], [sflag:$0x8] =	stream.indirect.gather [hbm4b:s5+s29], $0x80, s28, s29, $0xb8;
	[tilespmem:$0x1EF80] =	vst v63  }
0x3a: {  	s12 =	simm.s32 $0x2800;
	s22 =	rddreg [dreg:$0xa]  }
0x3b: {  	[tilespmem:s12], [sflag:$0x2] =	stream.linear.gather [hbm4b:s22+s28], $0x28, $0x38;
	[tilespmem:$0x1EF80] =	vst v63  }
0x3c: {  	s14 =	simm.s32 $0x3F00  }
0x3d: {  	[tilespmem:s14], [sflag:$0x9] =	stream.indirect.gather [hbm4b:s5+s29], $0x80, s29, s29, $0xb8;
	[tilespmem:$0x1EF80] =	vst v63  }
0x3e: {  	s15 =	simm.s32 $0x2880;
	s26 =	rddreg [dreg:$0xb]  }
0x3f: {  	[tilespmem:s15], [sflag:$0x3] =	stream.linear.gather [hbm4b:s26+s28], $0x28, $0x38;
	[tilespmem:$0x1EF80] =	vst v63  }
0x40: {  	s2 =	simm.s32 $0x50;
	s17 =	simm.s32 $0x5300  }
0x41: {  	[tilespmem:s17], [sflag:$0xA] =	stream.indirect.gather [hbm4b:s5+s29], $0x80, s2, s29, $0xb8;
	[tilespmem:$0x1EF80] =	vst v63  }
0x42: {  	s18 =	simm.s32 $0x2900;
	s3 =	rddreg [dreg:$0xc]  }
0x43: {  	[tilespmem:s18], [sflag:$0x4] =	stream.linear.gather [hbm4b:s3+s28], $0x28, $0x38;
	[tilespmem:$0x1EF80] =	vst v63  }
0x44: {  	s4 =	simm.s32 $0x78;
	s19 =	simm.s32 $0x6700  }
0x45: {  	[tilespmem:s19], [sflag:$0xB] =	stream.indirect.gather [hbm4b:s5+s29], $0x80, s4, s29, $0xb8;
	[tilespmem:$0x1EF80] =	vst v63  }
0x46: {  	s9 =	rddreg [dreg:$0xd];
	s4 =	simm.s32 $0x2980  }
0x47: {  	[tilespmem:s4], [sflag:$0x5] =	stream.linear.gather [hbm4b:s9+s28], $0x28, $0x38;
	[tilespmem:$0x1EF80] =	vst v63  }
0x48: {  	s10 =	simm.s32 $0xA0;
	s13 =	simm.s32 $0x8;
	s20 =	simm.s32 $0x7B00  }
0x49: {  	[tilespmem:s20], [sflag:$0xC] =	stream.indirect.gather [hbm4b:s5+s29], $0x80, s10, s29, $0xb8;
	[tilespmem:$0x1EF80] =	vst v63  }
0x4a: {  	_ =	swait.ge [sflag:s13], $0x1400  }
0x4b: {  	[sflag:s13] =	ssyncset.done $0x0  }
0x4c: {  	s22 =	simm.s32 $0x1;
	[sflag:s13] =	ssyncadd.s32 $0xFFFFEC00  }
0x4d: {  	_ =	swait.ge [sflag:s22], $0x28  }
0x4e: {  	[sflag:s22] =	ssyncset.done $0x0  }
0x4f: {  	p1 =	por $0x1, $0x1;
	[sflag:s22] =	ssyncadd.s32 $0xFFFFFFD8  }
0x50: {  	s6 =	simm.s32 @!p1 $0x14;
	s2 =	rddreg [dreg:$0x1]  }
0x51: {  	[spmem:s2] =	stream.indirect.scatter.add.f32 [tilespmem:s11], [sflag:$0xF], $0x80, s8, s29, $0xb8;
	[tilespmem:$0x1EF80] =	vst v63  }
0x52: {  	_ =	swait.ge @!p1 [sflag:s6], $0x1400  }
0x53: {  	[sflag:s6] =	ssyncset.done @!p1 $0x0  }
0x54: {  	s10 =	rddreg [dreg:$0x16];
	[sflag:s6] =	ssyncadd.s32 @!p1 $0xFFFFEC00  }
0x55: {  	[tilespmem:s21], [sflag:$0x6] =	stream.linear.gather [hbm4b:s10+s28], $0x28, $0x38;
	[tilespmem:$0x1EF80] =	vst v63  }
0x56: {  	s26 =	simm.s32 $0xC8;
	s3 =	simm.s32 $0x9  }
0x57: {  	[tilespmem:s1], [sflag:$0xD] =	stream.indirect.gather [hbm4b:s5+s29], $0x80, s26, s29, $0xb8;
	[tilespmem:$0x1EF80] =	vst v63  }
0x58: {  	_ =	swait.ge [sflag:s3], $0x1400  }
0x59: {  	[sflag:s3] =	ssyncset.done $0x0  }
0x5a: {  	s9 =	simm.s32 $0x2;
	[sflag:s3] =	ssyncadd.s32 $0xFFFFEC00  }
0x5b: {  	_ =	swait.ge [sflag:s9], $0x28  }
0x5c: {  	[sflag:s9] =	ssyncset.done $0x0  }
0x5d: {  	s6 =	simm.s32 @!p1 $0x15;
	[sflag:s9] =	ssyncadd.s32 $0xFFFFFFD8  }
0x5e: {  	[spmem:s2] =	stream.indirect.scatter.add.f32 [tilespmem:s14], [sflag:$0x10], $0x80, s12, s29, $0xb8;
	[tilespmem:$0x1EF80] =	vst v63  }
0x5f: {  	_ =	swait.ge @!p1 [sflag:s6], $0x1400  }
0x60: {  	[sflag:s6] =	ssyncset.done @!p1 $0x0  }
0x61: {  	s9 =	rddreg [dreg:$0x15];
	[sflag:s6] =	ssyncadd.s32 @!p1 $0xFFFFEC00  }
0x62: {  	[tilespmem:s25], [sflag:$0x7] =	stream.linear.gather [hbm4b:s9+s28], $0x28, $0x38;
	[tilespmem:$0x1EF80] =	vst v63  }
0x63: {  	s13 =	simm.s32 $0xF0;
	s22 =	simm.s32 $0xA  }
0x64: {  	[tilespmem:s0], [sflag:$0xE] =	stream.indirect.gather [hbm4b:s5+s29], $0x80, s13, s29, $0xb8;
	[tilespmem:$0x1EF80] =	vst v63  }
0x65: {  	_ =	swait.ge [sflag:s22], $0x1400  }
0x66: {  	[sflag:s22] =	ssyncset.done $0x0  }
0x67: {  	s26 =	simm.s32 $0x3;
	[sflag:s22] =	ssyncadd.s32 $0xFFFFEC00  }
0x68: {  	_ =	swait.ge [sflag:s26], $0x28  }
0x69: {  	[sflag:s26] =	ssyncset.done $0x0  }
0x6a: {  	s22 =	simm.s32 $0xF;
	[sflag:s26] =	ssyncadd.s32 $0xFFFFFFD8  }
0x6b: {  	[spmem:s2] =	stream.indirect.scatter.add.f32 [tilespmem:s17], [sflag:$0x11], $0x80, s15, s29, $0xb8;
	[tilespmem:$0x1EF80] =	vst v63  }
0x6c: {  	_ =	swait.ge [sflag:s22], $0x1400  }
0x6d: {  	s13 =	rddreg [dreg:$0x14]  }
0x6e: {  	[sflag:s22] =	ssyncset.done $0x0;
	s3 =	sshrl.u32 s13, $0x3  }
0x6f: {  	[sflag:s22] =	ssyncadd.s32 $0xFFFFEC00;
	s6 =	sadd.s32 s16, s3  }
0x70: {  	[tilespmem:s8], [sflag:$0x1] =	stream.linear.gather [hbm4b:s6+s28], $0x28, $0x38;
	[tilespmem:$0x1EF80] =	vst v63  }
0x71: {  	s26 =	simm.s32 $0x118;
	s3 =	simm.s32 $0xB  }
0x72: {  	[tilespmem:s11], [sflag:$0x8] =	stream.indirect.gather [hbm4b:s5+s29], $0x80, s26, s29, $0xb8;
	[tilespmem:$0x1EF80] =	vst v63  }
0x73: {  	_ =	swait.ge [sflag:s3], $0x1400  }
0x74: {  	[sflag:s3] =	ssyncset.done $0x0  }
0x75: {  	s8 =	simm.s32 $0x4;
	[sflag:s3] =	ssyncadd.s32 $0xFFFFEC00  }
0x76: {  	_ =	swait.ge [sflag:s8], $0x28  }
0x77: {  	[sflag:s8] =	ssyncset.done $0x0  }
0x78: {  	s11 =	simm.s32 $0x10;
	[sflag:s8] =	ssyncadd.s32 $0xFFFFFFD8  }
0x79: {  	[spmem:s2] =	stream.indirect.scatter.add.f32 [tilespmem:s19], [sflag:$0x12], $0x80, s18, s29, $0xb8;
	[tilespmem:$0x1EF80] =	vst v63  }
0x7a: {  	_ =	swait.ge [sflag:s11], $0x1400  }
0x7b: {  	[sflag:s11] =	ssyncset.done $0x0  }
0x7c: {  	[sflag:s11] =	ssyncadd.s32 $0xFFFFEC00;
	s11 =	rddreg [dreg:$0x13]  }
0x7d: {  	[tilespmem:s12], [sflag:$0x2] =	stream.linear.gather [hbm4b:s11+s28], $0x28, $0x38;
	[tilespmem:$0x1EF80] =	vst v63  }
0x7e: {  	s12 =	simm.s32 $0x140  }
0x7f: {  	[tilespmem:s14], [sflag:$0x9] =	stream.indirect.gather [hbm4b:s5+s29], $0x80, s12, s29, $0xb8;
	[tilespmem:$0x1EF80] =	vst v63  }
0x80: {  	s14 =	simm.s32 $0xC  }
0x81: {  	_ =	swait.ge [sflag:s14], $0x1400  }
0x82: {  	[sflag:s14] =	ssyncset.done $0x0  }
0x83: {  	s22 =	simm.s32 $0x5;
	[sflag:s14] =	ssyncadd.s32 $0xFFFFEC00  }
0x84: {  	_ =	swait.ge [sflag:s22], $0x28  }
0x85: {  	[sflag:s22] =	ssyncset.done $0x0  }
0x86: {  	s26 =	simm.s32 $0x11;
	[sflag:s22] =	ssyncadd.s32 $0xFFFFFFD8  }
0x87: {  	[spmem:s2] =	stream.indirect.scatter.add.f32 [tilespmem:s20], [sflag:$0x13], $0x80, s4, s29, $0xb8;
	[tilespmem:$0x1EF80] =	vst v63  }
0x88: {  	_ =	swait.ge [sflag:s26], $0x1400  }
0x89: {  	[sflag:s26] =	ssyncset.done $0x0  }
0x8a: {  	s3 =	rddreg [dreg:$0x12];
	[sflag:s26] =	ssyncadd.s32 $0xFFFFEC00  }
0x8b: {  	[tilespmem:s15], [sflag:$0x3] =	stream.linear.gather [hbm4b:s3+s28], $0x28, $0x38;
	[tilespmem:$0x1EF80] =	vst v63  }
0x8c: {  	s20 =	simm.s32 $0x168  }
0x8d: {  	[tilespmem:s17], [sflag:$0xA] =	stream.indirect.gather [hbm4b:s5+s29], $0x80, s20, s29, $0xb8;
	[tilespmem:$0x1EF80] =	vst v63  }
0x8e: {  	_ =	swait.ge [sflag:s30], $0x1400  }
0x8f: {  	[sflag:s30] =	ssyncset.done $0x0  }
0x90: {  	[sflag:s30] =	ssyncadd.s32 $0xFFFFEC00  }
0x91: {  	_ =	swait.ge [sflag:s7], $0x28  }
0x92: {  	[sflag:s7] =	ssyncset.done $0x0  }
0x93: {  	[sflag:s7] =	ssyncadd.s32 $0xFFFFFFD8  }
0x94: {  	[spmem:s2] =	stream.indirect.scatter.add.f32 [tilespmem:s1], [sflag:$0x14], $0x80, s21, s29, $0xb8;
	[tilespmem:$0x1EF80] =	vst v63  }
0x95: {  	s21 =	simm.s32 $0x12  }
0x96: {  	_ =	swait.ge [sflag:s21], $0x1400  }
0x97: {  	[sflag:s21] =	ssyncset.done $0x0  }
0x98: {  	s26 =	rddreg [dreg:$0x11];
	[sflag:s21] =	ssyncadd.s32 $0xFFFFEC00  }
0x99: {  	[tilespmem:s18], [sflag:$0x4] =	stream.linear.gather [hbm4b:s26+s28], $0x28, $0x38;
	[tilespmem:$0x1EF80] =	vst v63  }
0x9a: {  	s22 =	simm.s32 $0x190  }
0x9b: {  	[tilespmem:s19], [sflag:$0xB] =	stream.indirect.gather [hbm4b:s5+s29], $0x80, s22, s29, $0xb8;
	[tilespmem:$0x1EF80] =	vst v63  }
0x9c: {  	_ =	swait.ge [sflag:s23], $0x1400  }
0x9d: {  	[sflag:s23] =	ssyncset.done $0x0  }
0x9e: {  	[sflag:s23] =	ssyncadd.s32 $0xFFFFEC00  }
0x9f: {  	_ =	swait.ge [sflag:s24], $0x28  }
0xa0: {  	s10 =	sadd.s32 $0x23, s10;
	[sflag:s24] =	ssyncset.done $0x0  }
0xa1: {  	s9 =	sadd.s32 $0x23, s9;
	s30 =	simm.s32 $0x13;
	[sflag:s24] =	ssyncadd.s32 $0xFFFFFFD8  }
0xa2: {  	[spmem:s2] =	stream.indirect.scatter.add.f32 [tilespmem:s0], [sflag:$0x15], $0x80, s25, s29, $0xb8;
	[tilespmem:$0x1EF80] =	vst v63  }
0xa3: {  	s6 =	sadd.s32 $0x118, s13;
	s13 =	simm.s32 $0x1B8;
	_ =	swait.ge [sflag:s30], $0x1400  }
0xa4: {  	s8 =	simm.s32 $0x460;
	s11 =	sadd.s32 $0x23, s11;
	[sflag:s30] =	ssyncset.done $0x0  }
0xa5: {  	s15 =	sadd.s32 $0x23, s3;
	s12 =	rddreg [dreg:$0x10];
	[sflag:s30] =	ssyncadd.s32 $0xFFFFEC00  }
0xa6: {  	[tilespmem:s4], [sflag:$0x5] =	stream.linear.gather [hbm4b:s12+s28], $0x28, $0x38;
	[tilespmem:$0x1EF80] =	vst v63  }
.LBB2_2:
0xa7: {  	s30 =	simm.s32 $0x7B00;
	s4 =	simm.s32 $0x8  }
0xa8: {  	[tilespmem:s30], [sflag:$0xC] =	stream.indirect.gather [hbm4b:s5+s29], $0x80, s13, s29, $0xb8;
	[tilespmem:$0x1EF80] =	vst v63  }
0xa9: {  	_ =	swait.ge [sflag:s4], $0x1400  }
0xaa: {  	[sflag:s4] =	ssyncset.done $0x0  }
0xab: {  	s23 =	simm.s32 $0x1;
	[sflag:s4] =	ssyncadd.s32 $0xFFFFEC00  }
0xac: {  	_ =	swait.ge [sflag:s23], $0x28  }
0xad: {  	s14 =	smov.u32 s8;
	[sflag:s23] =	ssyncset.done $0x0  }
0xae: {  	s21 =	simm.s32 $0x2780;
	p2 =	seq.s32 s14, $0x0;
	[sflag:s23] =	ssyncadd.s32 $0xFFFFFFD8  }
0xaf: {  	s19 =	simm.s32 $0x2B00;
	s13 =	simm.s32 @!p2 $0x14;
	s3 =	rddreg [dreg:$0x1]  }
0xb0: {  	[spmem:s3] =	stream.indirect.scatter.add.f32 [tilespmem:s19], [sflag:$0xF], $0x80, s21, s29, $0xb8;
	[tilespmem:$0x1EF80] =	vst v63  }
0xb1: {  	_ =	swait.ge @!p2 [sflag:s13], $0x1400  }
0xb2: {  	[sflag:s13] =	ssyncset.done @!p2 $0x0  }
0xb3: {  	s2 =	simm.s32 $0x2A00;
	[sflag:s13] =	ssyncadd.s32 @!p2 $0xFFFFEC00;
	s13 =	sshra.s32 s14, $0x2  }
0xb4: {  	[tilespmem:s2], [sflag:$0x6] =	stream.linear.gather [hbm4b:s10+s28], $0x28, $0x38;
	[tilespmem:$0x1EF80] =	vst v63  }
0xb5: {  	s0 =	simm.s32 $0x8F00;
	s24 =	simm.s32 $0x9;
	s14 =	sadd.s32 $0xC8, s13  }
0xb6: {  	[tilespmem:s0], [sflag:$0xD] =	stream.indirect.gather [hbm4b:s5+s29], $0x80, s14, s29, $0xb8;
	[tilespmem:$0x1EF80] =	vst v63  }
0xb7: {  	_ =	swait.ge [sflag:s24], $0x1400  }
0xb8: {  	[sflag:s24] =	ssyncset.done $0x0  }
0xb9: {  	s1 =	simm.s32 $0x2;
	[sflag:s24] =	ssyncadd.s32 $0xFFFFEC00  }
0xba: {  	_ =	swait.ge [sflag:s1], $0x28  }
0xbb: {  	s20 =	simm.s32 $0x2800;
	[sflag:s1] =	ssyncset.done $0x0  }
0xbc: {  	s22 =	simm.s32 $0x3F00;
	s14 =	simm.s32 @!p2 $0x15;
	[sflag:s1] =	ssyncadd.s32 $0xFFFFFFD8  }
0xbd: {  	[spmem:s3] =	stream.indirect.scatter.add.f32 [tilespmem:s22], [sflag:$0x10], $0x80, s20, s29, $0xb8;
	[tilespmem:$0x1EF80] =	vst v63  }
0xbe: {  	_ =	swait.ge @!p2 [sflag:s14], $0x1400  }
0xbf: {  	[sflag:s14] =	ssyncset.done @!p2 $0x0  }
0xc0: {  	[sflag:s14] =	ssyncadd.s32 @!p2 $0xFFFFEC00  }
0xc1: {  	[tilespmem:s25], [sflag:$0x7] =	stream.linear.gather [hbm4b:s9+s28], $0x28, $0x38;
	[tilespmem:$0x1EF80] =	vst v63  }
0xc2: {  	s7 =	sadd.s32 $0xF0, s13;
	s1 =	simm.s32 $0xA300;
	s14 =	simm.s32 $0xA  }
0xc3: {  	[tilespmem:s1], [sflag:$0xE] =	stream.indirect.gather [hbm4b:s5+s29], $0x80, s7, s29, $0xb8;
	[tilespmem:$0x1EF80] =	vst v63  }
0xc4: {  	_ =	swait.ge [sflag:s14], $0x1400  }
0xc5: {  	[sflag:s14] =	ssyncset.done $0x0  }
0xc6: {  	s17 =	simm.s32 $0x3;
	[sflag:s14] =	ssyncadd.s32 $0xFFFFEC00  }
0xc7: {  	_ =	swait.ge [sflag:s17], $0x28  }
0xc8: {  	s18 =	simm.s32 $0xF;
	[sflag:s17] =	ssyncset.done $0x0  }
0xc9: {  	s23 =	simm.s32 $0x2880;
	s24 =	simm.s32 $0x5300;
	[sflag:s17] =	ssyncadd.s32 $0xFFFFFFD8  }
0xca: {  	[spmem:s3] =	stream.indirect.scatter.add.f32 [tilespmem:s24], [sflag:$0x11], $0x80, s23, s29, $0xb8;
	[tilespmem:$0x1EF80] =	vst v63  }
0xcb: {  	_ =	swait.ge [sflag:s18], $0x1400  }
0xcc: {  	s25 =	sshrl.u32 s6, $0x3;
	[sflag:s18] =	ssyncset.done $0x0  }
0xcd: {  	s14 =	sadd.s32 s16, s25;
	[sflag:s18] =	ssyncadd.s32 $0xFFFFEC00  }
0xce: {  	[tilespmem:s21], [sflag:$0x1] =	stream.linear.gather [hbm4b:s14+s28], $0x28, $0x38;
	[tilespmem:$0x1EF80] =	vst v63  }
0xcf: {  	s7 =	sadd.s32 $0x118, s13;
	s14 =	simm.s32 $0xB  }
0xd0: {  	[tilespmem:s19], [sflag:$0x8] =	stream.indirect.gather [hbm4b:s5+s29], $0x80, s7, s29, $0xb8;
	[tilespmem:$0x1EF80] =	vst v63  }
0xd1: {  	_ =	swait.ge [sflag:s14], $0x1400  }
0xd2: {  	s18 =	smov.u32 s16;
	[sflag:s14] =	ssyncset.done $0x0  }
0xd3: {  	s16 =	smov.u32 s18;
	s18 =	simm.s32 $0x4;
	[sflag:s14] =	ssyncadd.s32 $0xFFFFEC00  }
0xd4: {  	_ =	swait.ge [sflag:s18], $0x28  }
0xd5: {  	s4 =	simm.s32 $0x6700;
	[sflag:s18] =	ssyncset.done $0x0  }
0xd6: {  	s25 =	simm.s32 $0x2900;
	s19 =	simm.s32 $0x10;
	[sflag:s18] =	ssyncadd.s32 $0xFFFFFFD8  }
0xd7: {  	[spmem:s3] =	stream.indirect.scatter.add.f32 [tilespmem:s4], [sflag:$0x12], $0x80, s25, s29, $0xb8;
	[tilespmem:$0x1EF80] =	vst v63  }
0xd8: {  	_ =	swait.ge [sflag:s19], $0x1400  }
0xd9: {  	[sflag:s19] =	ssyncset.done $0x0  }
0xda: {  	[sflag:s19] =	ssyncadd.s32 $0xFFFFEC00  }
0xdb: {  	[tilespmem:s20], [sflag:$0x2] =	stream.linear.gather [hbm4b:s11+s28], $0x28, $0x38;
	[tilespmem:$0x1EF80] =	vst v63  }
0xdc: {  	s7 =	sadd.s32 $0x140, s13  }
0xdd: {  	[tilespmem:s22], [sflag:$0x9] =	stream.indirect.gather [hbm4b:s5+s29], $0x80, s7, s29, $0xb8;
	[tilespmem:$0x1EF80] =	vst v63  }
0xde: {  	s7 =	simm.s32 $0xC  }
0xdf: {  	_ =	swait.ge [sflag:s7], $0x1400  }
0xe0: {  	[sflag:s7] =	ssyncset.done $0x0  }
0xe1: {  	s20 =	simm.s32 $0x5;
	[sflag:s7] =	ssyncadd.s32 $0xFFFFEC00  }
0xe2: {  	_ =	swait.ge [sflag:s20], $0x28  }
0xe3: {  	[sflag:s20] =	ssyncset.done $0x0  }
0xe4: {  	s28 =	simm.s32 $0x2980;
	s22 =	simm.s32 $0x11;
	[sflag:s20] =	ssyncadd.s32 $0xFFFFFFD8  }
0xe5: {  	[spmem:s3] =	stream.indirect.scatter.add.f32 [tilespmem:s30], [sflag:$0x13], $0x80, s28, s29, $0xb8;
	[tilespmem:$0x1EF80] =	vst v63  }
0xe6: {  	_ =	swait.ge [sflag:s22], $0x1400  }
0xe7: {  	[sflag:s22] =	ssyncset.done $0x0  }
0xe8: {  	s7 =	simm.s32 $0x0;
	[sflag:s22] =	ssyncadd.s32 $0xFFFFEC00  }
0xe9: {  	[tilespmem:s23], [sflag:$0x3] =	stream.linear.gather [hbm4b:s15+s7], $0x28, $0x38;
	[tilespmem:$0x1EF80] =	vst v63  }
0xea: {  	s14 =	sadd.s32 $0x168, s13;
	s30 =	simm.s32 $0xD  }
0xeb: {  	[tilespmem:s24], [sflag:$0xA] =	stream.indirect.gather [hbm4b:s5+s29], $0x80, s14, s29, $0xb8;
	[tilespmem:$0x1EF80] =	vst v63  }
0xec: {  	_ =	swait.ge [sflag:s30], $0x1400  }
0xed: {  	[sflag:s30] =	ssyncset.done $0x0  }
0xee: {  	s24 =	simm.s32 $0x6;
	[sflag:s30] =	ssyncadd.s32 $0xFFFFEC00  }
0xef: {  	_ =	swait.ge [sflag:s24], $0x28  }
0xf0: {  	[sflag:s24] =	ssyncset.done $0x0  }
0xf1: {  	[sflag:s24] =	ssyncadd.s32 $0xFFFFFFD8  }
0xf2: {  	[spmem:s3] =	stream.indirect.scatter.add.f32 [tilespmem:s0], [sflag:$0x14], $0x80, s2, s29, $0xb8;
	[tilespmem:$0x1EF80] =	vst v63  }
0xf3: {  	s0 =	simm.s32 $0x12  }
0xf4: {  	_ =	swait.ge [sflag:s0], $0x1400  }
0xf5: {  	[sflag:s0] =	ssyncset.done $0x0  }
0xf6: {  	s26 =	sadd.s32 $0x23, s26;
	[sflag:s0] =	ssyncadd.s32 $0xFFFFEC00  }
0xf7: {  	[tilespmem:s25], [sflag:$0x4] =	stream.linear.gather [hbm4b:s26+s7], $0x28, $0x38;
	[tilespmem:$0x1EF80] =	vst v63  }
0xf8: {  	s2 =	sadd.s32 $0x190, s13  }
0xf9: {  	[tilespmem:s4], [sflag:$0xB] =	stream.indirect.gather [hbm4b:s5+s29], $0x80, s2, s29, $0xb8;
	[tilespmem:$0x1EF80] =	vst v63  }
0xfa: {  	s8 =	sadd.s32 $0x460, s8;
	s4 =	simm.s32 $0xE  }
0xfb: {  	s12 =	sadd.s32 $0x23, s12;
	p1 =	sne.s32 s8, $0x9920;
	_ =	swait.ge [sflag:s4], $0x1400  }
0xfc: {  	s10 =	sadd.s32 $0x23, s10;
	s9 =	sadd.s32 $0x23, s9;
	[sflag:s4] =	ssyncset.done $0x0  }
0xfd: {  	s6 =	sadd.s32 $0x118, s6;
	s17 =	simm.s32 $0x2780;
	[sflag:s4] =	ssyncadd.s32 $0xFFFFEC00  }
0xfe: {  	s21 =	simm.s32 $0x2B00;
	s18 =	simm.s32 $0x2800;
	_ =	swait.ge [sflag:s31], $0x28  }
0xff: {  	s19 =	simm.s32 $0x3F00;
	s11 =	sadd.s32 $0x23, s11;
	[sflag:s31] =	ssyncset.done $0x0  }
0x100: {  	s14 =	simm.s32 $0x13;
	s25 =	simm.s32 $0x2A80;
	[sflag:s31] =	ssyncadd.s32 $0xFFFFFFD8  }
0x101: {  	[spmem:s3] =	stream.indirect.scatter.add.f32 [tilespmem:s1], [sflag:$0x15], $0x80, s25, s29, $0xb8;
	[tilespmem:$0x1EF80] =	vst v63  }
.Ltmp0:
0x102: {  	s20 =	simm.s32 $0x2880;
	_ =	swait.ge [sflag:s14], $0x1400;
	(pc) =	sbr.rel @p1 .LBB2_2-.Ltmp0, $4  }
0x103: {  	s22 =	simm.s32 $0x5300;
	s23 =	simm.s32 $0x2900;
	[sflag:s14] =	ssyncset.done $0x0  }
0x104: {  	s15 =	sadd.s32 $0x23, s15;
	s24 =	simm.s32 $0x6700;
	[sflag:s14] =	ssyncadd.s32 $0xFFFFEC00  }
0x105: {  	[tilespmem:s28], [sflag:$0x5] =	stream.linear.gather [hbm4b:s12+s7], $0x28, $0x38;
	[tilespmem:$0x1EF80] =	vst v63  }
0x106: {  	s13 =	sadd.s32 $0x1B8, s13;
	s4 =	simm.s32 $0x2980;
	s28 =	simm.s32 $0x0  }
0x107: {  	s6 =	simm.s32 $0x7B00;
	s8 =	simm.s32 $0x8  }
0x108: {  	[tilespmem:s6], [sflag:$0xC] =	stream.indirect.gather [hbm4b:s5+s29], $0x80, s13, s29, $0xb8;
	[tilespmem:$0x1EF80] =	vst v63  }
0x109: {  	_ =	swait.ge [sflag:s8], $0x1400  }
0x10a: {  	[sflag:s8] =	ssyncset.done $0x0  }
0x10b: {  	s9 =	simm.s32 $0x1;
	[sflag:s8] =	ssyncadd.s32 $0xFFFFEC00  }
0x10c: {  	_ =	swait.ge [sflag:s9], $0x28  }
0x10d: {  	[sflag:s9] =	ssyncset.done $0x0  }
0x10e: {  	[sflag:s9] =	ssyncadd.s32 $0xFFFFFFD8  }
0x10f: {  	s1 =	simm.s32 $0x9;
	s2 =	rddreg [dreg:$0x1]  }
0x110: {  	[spmem:s2] =	stream.indirect.scatter.add.f32 [tilespmem:s21], [sflag:$0xF], $0x80, s17, s29, $0xb8;
	[tilespmem:$0x1EF80] =	vst v63  }
0x111: {  	_ =	swait.ge [sflag:s1], $0x1400  }
0x112: {  	[sflag:s1] =	ssyncset.done $0x0  }
0x113: {  	s10 =	simm.s32 $0x2;
	[sflag:s1] =	ssyncadd.s32 $0xFFFFEC00  }
0x114: {  	_ =	swait.ge [sflag:s10], $0x28  }
0x115: {  	[sflag:s10] =	ssyncset.done $0x0  }
0x116: {  	s0 =	simm.s32 $0xA;
	[sflag:s10] =	ssyncadd.s32 $0xFFFFFFD8  }
0x117: {  	[spmem:s2] =	stream.indirect.scatter.add.f32 [tilespmem:s19], [sflag:$0x10], $0x80, s18, s29, $0xb8;
	[tilespmem:$0x1EF80] =	vst v63  }
0x118: {  	_ =	swait.ge [sflag:s0], $0x1400  }
0x119: {  	[sflag:s0] =	ssyncset.done $0x0  }
0x11a: {  	s11 =	simm.s32 $0x3;
	[sflag:s0] =	ssyncadd.s32 $0xFFFFEC00  }
0x11b: {  	_ =	swait.ge [sflag:s11], $0x28  }
0x11c: {  	[sflag:s11] =	ssyncset.done $0x0  }
0x11d: {  	s12 =	simm.s32 $0xB;
	[sflag:s11] =	ssyncadd.s32 $0xFFFFFFD8  }
0x11e: {  	[spmem:s2] =	stream.indirect.scatter.add.f32 [tilespmem:s22], [sflag:$0x11], $0x80, s20, s29, $0xb8;
	[tilespmem:$0x1EF80] =	vst v63  }
0x11f: {  	_ =	swait.ge [sflag:s12], $0x1400  }
0x120: {  	[sflag:s12] =	ssyncset.done $0x0  }
0x121: {  	s13 =	simm.s32 $0x4;
	[sflag:s12] =	ssyncadd.s32 $0xFFFFEC00  }
0x122: {  	_ =	swait.ge [sflag:s13], $0x28  }
0x123: {  	[sflag:s13] =	ssyncset.done $0x0  }
0x124: {  	s14 =	simm.s32 $0xC;
	[sflag:s13] =	ssyncadd.s32 $0xFFFFFFD8  }
0x125: {  	[spmem:s2] =	stream.indirect.scatter.add.f32 [tilespmem:s24], [sflag:$0x12], $0x80, s23, s29, $0xb8;
	[tilespmem:$0x1EF80] =	vst v63  }
0x126: {  	_ =	swait.ge [sflag:s14], $0x1400  }
0x127: {  	[sflag:s14] =	ssyncset.done $0x0  }
0x128: {  	s15 =	simm.s32 $0x5;
	[sflag:s14] =	ssyncadd.s32 $0xFFFFEC00  }
0x129: {  	_ =	swait.ge [sflag:s15], $0x28  }
0x12a: {  	[sflag:s15] =	ssyncset.done $0x0  }
0x12b: {  	s17 =	simm.s32 $0xF;
	[sflag:s15] =	ssyncadd.s32 $0xFFFFFFD8  }
0x12c: {  	[spmem:s2] =	stream.indirect.scatter.add.f32 [tilespmem:s6], [sflag:$0x13], $0x80, s4, s29, $0xb8;
	[tilespmem:$0x1EF80] =	vst v63  }
0x12d: {  	_ =	swait.ge [sflag:s17], $0x1400  }
0x12e: {  	[sflag:s17] =	ssyncset.done $0x0  }
0x12f: {  	s18 =	simm.s32 $0x10;
	[sflag:s17] =	ssyncadd.s32 $0xFFFFEC00  }
0x130: {  	_ =	swait.ge [sflag:s18], $0x1400  }
0x131: {  	[sflag:s18] =	ssyncset.done $0x0  }
0x132: {  	s19 =	simm.s32 $0x11;
	[sflag:s18] =	ssyncadd.s32 $0xFFFFEC00  }
0x133: {  	_ =	swait.ge [sflag:s19], $0x1400  }
0x134: {  	[sflag:s19] =	ssyncset.done $0x0  }
0x135: {  	s20 =	simm.s32 $0x12;
	[sflag:s19] =	ssyncadd.s32 $0xFFFFEC00  }
0x136: {  	_ =	swait.ge [sflag:s20], $0x1400  }
0x137: {  	[sflag:s20] =	ssyncset.done $0x0  }
0x138: {  	s21 =	simm.s32 $0x13;
	[sflag:s20] =	ssyncadd.s32 $0xFFFFEC00  }
0x139: {  	_ =	swait.ge [sflag:s21], $0x1400  }
0x13a: {  	[sflag:s21] =	ssyncset.done $0x0  }
0x13b: {  	s22 =	simm.s32 $0x14;
	[sflag:s21] =	ssyncadd.s32 $0xFFFFEC00  }
0x13c: {  	_ =	swait.ge [sflag:s22], $0x1400  }
0x13d: {  	[sflag:s22] =	ssyncset.done $0x0  }
0x13e: {  	s23 =	simm.s32 $0x15;
	[sflag:s22] =	ssyncadd.s32 $0xFFFFEC00  }
0x13f: {  	_ =	swait.ge [sflag:s23], $0x1400  }
0x140: {  	[sflag:s23] =	ssyncset.done $0x0  }
0x141: {  	[sflag:s23] =	ssyncadd.s32 $0xFFFFEC00  }
0x142: {  	[bflag:$0x0] =	sbarrier.arrive $0xFFFF  }
0x143: {  	s9 =	rddreg [dreg:$0xe]  }
0x144: {  	s8 =	simm.s32 @p0 $0x1FD6;
	s0 =	rddreg [dreg:$0x18];
	s6 =	sadd.s32 @p0 $0x24900, s9  }
0x145: {  	[hbm:s6], [sflag:s8] =	dma.local @p0 [spmem:s0], $0x2800  }
0x146: {  	s6 =	simm.s32 @p0 $0x16  }
0x147: {  	_ =	swait.ge @p0 [sflag:s6], $0x2800  }
0x148: {  	[sflag:s6] =	ssyncset.done @p0 $0x0;
	s0 =	rddreg [dreg:$0x19]  }
0x149: {  	[sflag:s6] =	ssyncadd.s32 @p0 $0xFFFFD800;
	s6 =	rddreg [dreg:$0x3]  }
0x14a: {  	s1 =	rddreg [dreg:$0x1a];
	s6 =	sadd.s32 @!p0 s6, s9  }
0x14b: {  	[hbm:s6], [sflag:s0] =	dma.local @!p0 [spmem:s1], $0x2700  }
0x14c: {  	s6 =	simm.s32 @!p0 $0x16  }
0x14d: {  	_ =	swait.ge @!p0 [sflag:s6], $0x2700  }
0x14e: {  	s24 =	rddreg [dreg:$0x17]  }
0x14f: {  	s26 =	rddreg [dreg:$0xf];
	s4 =	sadd.s32 $0x1, s24  }
0x150: {  	p1 =	sne.s32 s4, s26  }
.Ltmp1:
0x151: {  	_ = 	snop;
	(pc) =	sbr.rel @p1 .LBB2_1-.Ltmp1, $4  }
0x152: {  	_ = 	snop  }
0x153: {  	s7 =	simm.s32 $0x6;
	s21 =	simm.s32 $0x2A00  }
0x154: {  	s23 =	simm.s32 $0xE;
	s1 =	simm.s32 $0x8F00;
	[sflag:s6] =	ssyncset.done @!p0 $0x0  }
0x155: {  	s0 =	simm.s32 $0xA300;
	[sflag:s6] =	ssyncadd.s32 @!p0 $0xFFFFD900;
	s24 =	simm.s32 $0x7  }
0x156: {  	_ =	sfence.sel $0x180000  }
0x157: {  	[bflag:$0x0] =	sbarrier.arrive $0xFFFF  }
0x158: {  	_ =	strace $0x9000004A  }
0x159: {  	s0 =	stileid.u32;
	[bflag:$0x2] =	sbarrier.arrive $0xFFFF  }
0x15a: {  	p0 =	sne.s32 s0, $0x0;
	s0 =	rddreg [dreg:$0x2]  }
0x15b: {  	s0 =	sadd.s32 @!p0 $0x100000, s0  }
0x15c: {  	[sflag:s0] =	ssyncadd.tile.s32 @!p0 $0x1;
	_ =	shalt  }
.Lfunc_end2:
_tile_overlayer_lowered:
.L_overlay_start_2:
0x15d: {  	(tag) =	ssettag $0x2  }
0x15e: {  	s0 =	rddreg [dreg:$0x0];
	s2 =	stileid.u32  }
0x15f: {  	s1 =	rddreg [dreg:$0x1];
	p0 =	sne.s32 s2, $0x0  }
0x160: {  	s3 =	rddreg [dreg:$0x2];
	[bflag:$0x3] =	sbarrier.arrive $0xFFFF;
	s2 =	simm.s32 @!p0 $0x1C16  }
0x161: {  	[timem:s3], [sflag:s2] =	dma.local @!p0 [hbm:s0], s1  }
0x162: {  	s0 =	simm.s32 @!p0 $0x16  }
0x163: {  	_ =	swait.ge @!p0 [sflag:s0], s1  }
0x164: {  	s1 =	ssub.s32 @!p0 $0x0, s1;
	[sflag:s0] =	ssyncset.done @!p0 $0x0  }
0x165: {  	[sflag:s0] =	ssyncadd.s32 @!p0 s1  }
0x166: {  	[bflag:$0x3] =	sbarrier.arrive $0xFFFF  }
0x167: {  	_ =	shalt  }

</sc_bundles>
